<compile_context>
chip_gen: v7x
topology: tpu7x:2x2x1
jax: 0.10.2.dev20260603
libtpu: 0.0.44.dev20260713+nightly
codegen_flags: <defaults>
</compile_context>

<pallas_src>
import jax
import jax.numpy as jnp
from jax import lax
from jax.experimental import pallas as pl
from jax.experimental.pallas import tpu as pltpu
from jax.experimental.pallas import tpu_sc as plsc

_B = 4096
_N = 128
_T = 16
_TOPK = 6
_DIST_THRESH = 120.0
_NW = 32
_RW = _B // _NW
_L = 16
_NG = _RW // _L
_SENT = 2 ** 30


def _sc_body(x_hbm, y_hbm, v_hbm, lane_hbm, dist_hbm, occ_hbm, ego_hbm,
             outs_hbm, outi_hbm,
             x_v, y_v, v_v, lane_v, dist_v, occ_v, ego_v, outs_v, outi_v):
    nc = lax.axis_index("c")
    ns = lax.axis_index("s")
    wid = ns * 2 + nc
    base = wid * _RW

    cols = pl.ds(base, _RW)
    pltpu.sync_copy(x_hbm.at[:, cols], x_v)
    pltpu.sync_copy(y_hbm.at[:, cols], y_v)
    pltpu.sync_copy(v_hbm.at[:, cols], v_v)
    pltpu.sync_copy(lane_hbm.at[:, cols], lane_v)
    pltpu.sync_copy(dist_hbm.at[:, cols], dist_v)
    pltpu.sync_copy(occ_hbm.at[:, cols], occ_v)
    pltpu.sync_copy(ego_hbm.at[:, cols], ego_v)

    neg_inf = jnp.float32(-jnp.inf)

    def group(g, _):
        lanes = pl.ds(g * _L, _L)
        ex = ego_v[0, lanes]
        ey = ego_v[1, lanes]
        ev = ego_v[2, lanes]
        el = ego_v[3, lanes]

        def p1(k, hc):
            for u in range(4):
                n = k * 4 + u
                occ = occ_v[n, lanes]
                dist = dist_v[n, lanes]
                hc = jnp.where((occ > 0.5) & (dist <= _DIST_THRESH),
                               jnp.float32(1.0), hc)
            return hc

        hc = lax.fori_loop(0, _N // 4, p1, jnp.zeros((_L,), jnp.float32))
        no_close = hc < 0.5

        def scoremask(n):
            x = x_v[n, lanes]
            y = y_v[n, lanes]
            vv = v_v[n, lanes]
            lane = lane_v[n, lanes]
            dist = dist_v[n, lanes]
            occ = occ_v[n, lanes]

            ld = jnp.abs(lane - el)
            bonus = jnp.where(ld < 0.5, jnp.float32(0.2), jnp.float32(0.0))
            bonus = bonus + jnp.where(jnp.abs(ld - 1.0) < 0.5,
                                      jnp.float32(0.1), jnp.float32(0.0))
            dx = jnp.abs(x - ex)
            dy = jnp.abs(y - ey)
            closing = jnp.maximum(ev - vv, 0.0)
            score = (1.25 / (dy + 1.0) + 0.75 / (dist + 1.0)
                     + 0.25 * jnp.minimum(closing * 0.1, 2.0)
                     + bonus + 0.15 / (dx + 1.0))
            avail = (occ > 0.5) & ((dist <= _DIST_THRESH) | no_close)
            return jnp.where(avail, score, neg_inf)

        minf = jnp.full((_L,), neg_inf)
        sent = jnp.full((_L,), _SENT, jnp.int32)
        s = [minf] * _TOPK
        i = [sent] * _TOPK
        for n in range(_TOPK):
            v = scoremask(n)
            n_vec = jnp.full((_L,), n, jnp.int32)
            c = [(v > s[j]) | ((v == s[j]) & (n_vec < i[j]))
                 for j in range(_TOPK)]
            ns_ = [jnp.where(c[0], v, s[0])]
            ni_ = [jnp.where(c[0], n_vec, i[0])]
            for j in range(1, _TOPK):
                ns_.append(jnp.where(c[j], jnp.where(c[j - 1], s[j - 1], v),
                                     s[j]))
                ni_.append(jnp.where(c[j], jnp.where(c[j - 1], i[j - 1],
                                                     n_vec), i[j]))
            s, i = ns_, ni_

        def ins_strict(n, carry):
            s0, s1, s2, s3, s4, s5, i0, i1, i2, i3, i4, i5 = carry
            v = scoremask(n)
            n_vec = jnp.zeros((_L,), jnp.int32) + n
            c0 = v > s0
            c1 = v > s1
            c2 = v > s2
            c3 = v > s3
            c4 = v > s4
            c5 = v > s5
            ns0 = jnp.where(c0, v, s0)
            ni0 = jnp.where(c0, n_vec, i0)
            ns1 = jnp.where(c1, jnp.where(c0, s0, v), s1)
            ni1 = jnp.where(c1, jnp.where(c0, i0, n_vec), i1)
            ns2 = jnp.where(c2, jnp.where(c1, s1, v), s2)
            ni2 = jnp.where(c2, jnp.where(c1, i1, n_vec), i2)
            ns3 = jnp.where(c3, jnp.where(c2, s2, v), s3)
            ni3 = jnp.where(c3, jnp.where(c2, i2, n_vec), i3)
            ns4 = jnp.where(c4, jnp.where(c3, s3, v), s4)
            ni4 = jnp.where(c4, jnp.where(c3, i3, n_vec), i4)
            ns5 = jnp.where(c5, jnp.where(c4, s4, v), s5)
            ni5 = jnp.where(c5, jnp.where(c4, i4, n_vec), i5)
            return (ns0, ns1, ns2, ns3, ns4, ns5,
                    ni0, ni1, ni2, ni3, ni4, ni5)

        def p2(k, carry):
            carry = ins_strict(_TOPK + 2 * k, carry)
            return ins_strict(_TOPK + 2 * k + 1, carry)

        res = lax.fori_loop(0, (_N - _TOPK) // 2, p2, tuple(s) + tuple(i))
        for j in range(_TOPK):
            outs_v[j, lanes] = res[j]
            outi_v[j, lanes] = res[_TOPK + j]
        return 0

    lax.fori_loop(0, _NG, group, 0)

    pltpu.sync_copy(outs_v, outs_hbm.at[wid])
    pltpu.sync_copy(outi_v, outi_hbm.at[wid])


@jax.jit
def _sc_call(x_t, y_t, v_t, lane_t, dist_t, occ_t, ego_t):
    mesh = plsc.VectorSubcoreMesh(core_axis_name="c", subcore_axis_name="s")
    return pl.kernel(
        _sc_body,
        out_type=[jax.ShapeDtypeStruct((_NW, _TOPK, _RW), jnp.float32),
                  jax.ShapeDtypeStruct((_NW, _TOPK, _RW), jnp.int32)],
        mesh=mesh,
        compiler_params=pltpu.CompilerParams(needs_layout_passes=False),
        scratch_types=[
            pltpu.VMEM((_N, _RW), jnp.float32),
            pltpu.VMEM((_N, _RW), jnp.float32),
            pltpu.VMEM((_N, _RW), jnp.float32),
            pltpu.VMEM((_N, _RW), jnp.float32),
            pltpu.VMEM((_N, _RW), jnp.float32),
            pltpu.VMEM((_N, _RW), jnp.float32),
            pltpu.VMEM((4, _RW), jnp.float32),
            pltpu.VMEM((_TOPK, _RW), jnp.float32),
            pltpu.VMEM((_TOPK, _RW), jnp.int32),
        ],
    )(x_t, y_t, v_t, lane_t, dist_t, occ_t, ego_t)


def kernel(social_occ, ego_state_raw, nbr_state_raw_grid, ego_lane,
           nbr_lane_grid, nbr_dist_grid):
    nbr_last = nbr_state_raw_grid[:, :, -1, :]
    x_t = nbr_last[:, :, 0].T
    y_t = nbr_last[:, :, 1].T
    v_t = nbr_last[:, :, 2].T
    lane_t = nbr_lane_grid[:, :, -1, 0].T
    dist_t = nbr_dist_grid[:, :, -1, 0].T
    occ_t = social_occ.T.astype(jnp.float32)
    ego_t = jnp.concatenate(
        [ego_state_raw[:, -1, :3], ego_lane[:, -1, :]], axis=1).T

    outs, outi = _sc_call(x_t, y_t, v_t, lane_t, dist_t, occ_t, ego_t)
    topk_score = outs.transpose(0, 2, 1).reshape(_B, _TOPK)
    selected_idx = outi.transpose(0, 2, 1).reshape(_B, _TOPK)
    selected_valid = jnp.isfinite(topk_score)
    return topk_score, selected_idx, selected_valid

# --- scband reference (transcript-rebuilt; emitter-appended) ---
"""Pipeline reference for scband-hist-encoder-41154376630383 (READ-ONLY COPY).

The authoritative reference and input builder live on the scoring server;
editing this copy changes nothing except your own understanding.
"""

import jax, jax.numpy as jnp
import numpy as np

B = 4096
N = 128
T = 16
TOPK = 6
DIST_THRESH = 120.0


def setup_inputs(seed: int = 0) -> dict:
    key = jax.random.key(seed)
    ks = jax.random.split(key, 6)
    social_occ = jax.random.bernoulli(ks[0], 0.7, (B, N))
    ego_state_raw = jax.random.normal(ks[1], (B, T, 4), dtype=jnp.float32) * 10.0
    nbr_state_raw_grid = jax.random.normal(ks[2], (B, N, T, 4), dtype=jnp.float32) * 10.0
    ego_lane = jax.random.randint(ks[3], (B, T, 1), 1, 9).astype(jnp.float32)
    nbr_lane_grid = jax.random.randint(ks[4], (B, N, T, 1), 1, 9).astype(jnp.float32)
    nbr_dist_grid = jax.random.uniform(ks[5], (B, N, T, 1), dtype=jnp.float32, minval=0.0, maxval=200.0)
    return {
        "social_occ": social_occ,
        "ego_state_raw": ego_state_raw,
        "nbr_state_raw_grid": nbr_state_raw_grid,
        "ego_lane": ego_lane,
        "nbr_lane_grid": nbr_lane_grid,
        "nbr_dist_grid": nbr_dist_grid,
    }


def reference(social_occ, ego_state_raw, nbr_state_raw_grid, ego_lane, nbr_lane_grid, nbr_dist_grid):
    # Faithful translation of HistEncoder.selectNeighborIndices (the top-k masking core).
    topk = min(TOPK, N)
    ego_last = ego_state_raw[:, -1, :]                     # [B, 4]
    nbr_last = nbr_state_raw_grid[:, :, -1, :]             # [B, N, 4]
    lane_delta_last = nbr_lane_grid[:, :, -1, 0] - ego_lane[:, None, -1, 0]
    same_lane = (jnp.abs(lane_delta_last) < 0.5).astype(ego_state_raw.dtype)
    adjacent_lane = (jnp.abs(jnp.abs(lane_delta_last) - 1.0) < 0.5).astype(ego_state_raw.dtype)
    dx_last = jnp.abs(nbr_last[..., 0] - ego_last[:, None, 0])
    dy_last = jnp.abs(nbr_last[..., 1] - ego_last[:, None, 1])
    dist_last = nbr_dist_grid[:, :, -1, 0]
    closing_speed = jax.nn.relu(ego_last[:, None, 2] - nbr_last[..., 2])
    inv_dy = 1.0 / (dy_last + 1.0)
    inv_dist = 1.0 / (dist_last + 1.0)
    inv_dx = 1.0 / (dx_last + 1.0)
    score = (1.25 * inv_dy + 0.75 * inv_dist
             + 0.25 * jnp.clip(closing_speed / 10.0, 0.0, 2.0)
             + 0.2 * same_lane + 0.1 * adjacent_lane + 0.15 * inv_dx)
    neg_inf = jnp.array(-jnp.inf, dtype=score.dtype)
    score = jnp.where(social_occ, score, neg_inf)          # masked_fill(~social_occ, -inf)
    close_enough = dist_last <= DIST_THRESH
    has_close = jnp.any(social_occ & close_enough, axis=1, keepdims=True)
    available = social_occ & (~has_close | close_enough)
    masked_score = jnp.where(available, score, neg_inf)
    topk_score, selected_idx = jax.lax.top_k(masked_score, topk)
    selected_valid = jnp.isfinite(topk_score)
    return topk_score, selected_idx, selected_valid

if __name__ == "__main__":
    import jax
    _d = setup_inputs()
    print(jax.jit(kernel)(*tuple(_d.values())))

</pallas_src>

<mosaic_0001>
#map = affine_map<(d0, d1) -> (0, 0)>
#map1 = affine_map<(d0, d1) -> (0, 0, 0)>
module attributes {stable_mosaic.version = 14 : i64} {
  func.func @_sc_body(%arg0: i32, %arg1: i32, %arg2: memref<128x4096xf32, #tpu.memory_space<hbm>>, %arg3: memref<128x4096xf32, #tpu.memory_space<hbm>>, %arg4: memref<128x4096xf32, #tpu.memory_space<hbm>>, %arg5: memref<128x4096xf32, #tpu.memory_space<hbm>>, %arg6: memref<128x4096xf32, #tpu.memory_space<hbm>>, %arg7: memref<128x4096xf32, #tpu.memory_space<hbm>>, %arg8: memref<4x4096xf32, #tpu.memory_space<hbm>>, %arg9: memref<32x6x128xf32, #tpu.memory_space<hbm>>, %arg10: memref<32x6x128xi32, #tpu.memory_space<hbm>>, %arg11: memref<128x128xf32, #tpu.memory_space<vmem>>, %arg12: memref<128x128xf32, #tpu.memory_space<vmem>>, %arg13: memref<128x128xf32, #tpu.memory_space<vmem>>, %arg14: memref<128x128xf32, #tpu.memory_space<vmem>>, %arg15: memref<128x128xf32, #tpu.memory_space<vmem>>, %arg16: memref<128x128xf32, #tpu.memory_space<vmem>>, %arg17: memref<4x128xf32, #tpu.memory_space<vmem>>, %arg18: memref<6x128xf32, #tpu.memory_space<vmem>>, %arg19: memref<6x128xi32, #tpu.memory_space<vmem>>) attributes {dimension_semantics = [#tpu.dimension_semantics<core_parallel>, #tpu.dimension_semantics<subcore_parallel>], iteration_bounds = array<i64: 2, 16>, scalar_prefetch = 0 : i64, scratch_operands = 9 : i64, tpu.core_type = #tpu.core_type<sc_vector_subcore>, window_params = [{transform_indices = #map}, {transform_indices = #map}, {transform_indices = #map}, {transform_indices = #map}, {transform_indices = #map}, {transform_indices = #map}, {transform_indices = #map}, {transform_indices = #map1}, {transform_indices = #map1}]} {
    %mul3A = arith.constant 2 : i32
    %mul3A_0 = arith.muli %arg1, %mul3A : i32
    %add3A = arith.addi %mul3A_0, %arg0 : i32
    %mul3A_1 = arith.constant 128 : i32
    %mul3A_2 = arith.muli %add3A, %mul3A_1 : i32
    "tpu.region"() ({
      %run_scoped3A = tpu.sem_alloc : memref<!tpu.dma_semaphore, #tpu.memory_space<semaphore_mem>>
      %dma_start3A = arith.constant 0 : i32
      %dma_start3A_10 = tpu.memref_slice %arg2[%dma_start3A, %mul3A_2] : memref<128x4096xf32, #tpu.memory_space<hbm>> -> memref<128x128xf32, #tpu.memory_space<hbm>>
      %dma_start3A_11 = arith.constant 0 : i32
      %dma_start3A_12 = tpu.memref_slice %arg2[%dma_start3A_11, %mul3A_2] : memref<128x4096xf32, #tpu.memory_space<hbm>> -> memref<128x128xf32, #tpu.memory_space<hbm>>
      tpu.enqueue_dma source(%dma_start3A_12 : memref<128x128xf32, #tpu.memory_space<hbm>>) target(%arg11 : memref<128x128xf32, #tpu.memory_space<vmem>>) target_semaphore(%run_scoped3A : memref<!tpu.dma_semaphore, #tpu.memory_space<semaphore_mem>>)
      %dma_wait3A = arith.constant 0 : i32
      %dma_wait3A_13 = tpu.memref_slice %arg2[%dma_wait3A, %mul3A_2] : memref<128x4096xf32, #tpu.memory_space<hbm>> -> memref<128x128xf32, #tpu.memory_space<hbm>>
      %dma_wait3A_14 = arith.constant 0 : i32
      %dma_wait3A_15 = tpu.memref_slice %arg2[%dma_wait3A_14, %mul3A_2] : memref<128x4096xf32, #tpu.memory_space<hbm>> -> memref<128x128xf32, #tpu.memory_space<hbm>>
      tpu.wait_dma2 semaphore(%run_scoped3A : memref<!tpu.dma_semaphore, #tpu.memory_space<semaphore_mem>>) src(%dma_wait3A_15 : memref<128x128xf32, #tpu.memory_space<hbm>>) dst(%arg11 : memref<128x128xf32, #tpu.memory_space<vmem>>)
      tpu.yield
    }) : () -> ()
    "tpu.region"() ({
      %run_scoped3A = tpu.sem_alloc : memref<!tpu.dma_semaphore, #tpu.memory_space<semaphore_mem>>
      %dma_start3A = arith.constant 0 : i32
      %dma_start3A_10 = tpu.memref_slice %arg3[%dma_start3A, %mul3A_2] : memref<128x4096xf32, #tpu.memory_space<hbm>> -> memref<128x128xf32, #tpu.memory_space<hbm>>
      %dma_start3A_11 = arith.constant 0 : i32
      %dma_start3A_12 = tpu.memref_slice %arg3[%dma_start3A_11, %mul3A_2] : memref<128x4096xf32, #tpu.memory_space<hbm>> -> memref<128x128xf32, #tpu.memory_space<hbm>>
      tpu.enqueue_dma source(%dma_start3A_12 : memref<128x128xf32, #tpu.memory_space<hbm>>) target(%arg12 : memref<128x128xf32, #tpu.memory_space<vmem>>) target_semaphore(%run_scoped3A : memref<!tpu.dma_semaphore, #tpu.memory_space<semaphore_mem>>)
      %dma_wait3A = arith.constant 0 : i32
      %dma_wait3A_13 = tpu.memref_slice %arg3[%dma_wait3A, %mul3A_2] : memref<128x4096xf32, #tpu.memory_space<hbm>> -> memref<128x128xf32, #tpu.memory_space<hbm>>
      %dma_wait3A_14 = arith.constant 0 : i32
      %dma_wait3A_15 = tpu.memref_slice %arg3[%dma_wait3A_14, %mul3A_2] : memref<128x4096xf32, #tpu.memory_space<hbm>> -> memref<128x128xf32, #tpu.memory_space<hbm>>
      tpu.wait_dma2 semaphore(%run_scoped3A : memref<!tpu.dma_semaphore, #tpu.memory_space<semaphore_mem>>) src(%dma_wait3A_15 : memref<128x128xf32, #tpu.memory_space<hbm>>) dst(%arg12 : memref<128x128xf32, #tpu.memory_space<vmem>>)
      tpu.yield
    }) : () -> ()
    "tpu.region"() ({
      %run_scoped3A = tpu.sem_alloc : memref<!tpu.dma_semaphore, #tpu.memory_space<semaphore_mem>>
      %dma_start3A = arith.constant 0 : i32
      %dma_start3A_10 = tpu.memref_slice %arg4[%dma_start3A, %mul3A_2] : memref<128x4096xf32, #tpu.memory_space<hbm>> -> memref<128x128xf32, #tpu.memory_space<hbm>>
      %dma_start3A_11 = arith.constant 0 : i32
      %dma_start3A_12 = tpu.memref_slice %arg4[%dma_start3A_11, %mul3A_2] : memref<128x4096xf32, #tpu.memory_space<hbm>> -> memref<128x128xf32, #tpu.memory_space<hbm>>
      tpu.enqueue_dma source(%dma_start3A_12 : memref<128x128xf32, #tpu.memory_space<hbm>>) target(%arg13 : memref<128x128xf32, #tpu.memory_space<vmem>>) target_semaphore(%run_scoped3A : memref<!tpu.dma_semaphore, #tpu.memory_space<semaphore_mem>>)
      %dma_wait3A = arith.constant 0 : i32
      %dma_wait3A_13 = tpu.memref_slice %arg4[%dma_wait3A, %mul3A_2] : memref<128x4096xf32, #tpu.memory_space<hbm>> -> memref<128x128xf32, #tpu.memory_space<hbm>>
      %dma_wait3A_14 = arith.constant 0 : i32
      %dma_wait3A_15 = tpu.memref_slice %arg4[%dma_wait3A_14, %mul3A_2] : memref<128x4096xf32, #tpu.memory_space<hbm>> -> memref<128x128xf32, #tpu.memory_space<hbm>>
      tpu.wait_dma2 semaphore(%run_scoped3A : memref<!tpu.dma_semaphore, #tpu.memory_space<semaphore_mem>>) src(%dma_wait3A_15 : memref<128x128xf32, #tpu.memory_space<hbm>>) dst(%arg13 : memref<128x128xf32, #tpu.memory_space<vmem>>)
      tpu.yield
    }) : () -> ()
    "tpu.region"() ({
      %run_scoped3A = tpu.sem_alloc : memref<!tpu.dma_semaphore, #tpu.memory_space<semaphore_mem>>
      %dma_start3A = arith.constant 0 : i32
      %dma_start3A_10 = tpu.memref_slice %arg5[%dma_start3A, %mul3A_2] : memref<128x4096xf32, #tpu.memory_space<hbm>> -> memref<128x128xf32, #tpu.memory_space<hbm>>
      %dma_start3A_11 = arith.constant 0 : i32
      %dma_start3A_12 = tpu.memref_slice %arg5[%dma_start3A_11, %mul3A_2] : memref<128x4096xf32, #tpu.memory_space<hbm>> -> memref<128x128xf32, #tpu.memory_space<hbm>>
      tpu.enqueue_dma source(%dma_start3A_12 : memref<128x128xf32, #tpu.memory_space<hbm>>) target(%arg14 : memref<128x128xf32, #tpu.memory_space<vmem>>) target_semaphore(%run_scoped3A : memref<!tpu.dma_semaphore, #tpu.memory_space<semaphore_mem>>)
      %dma_wait3A = arith.constant 0 : i32
      %dma_wait3A_13 = tpu.memref_slice %arg5[%dma_wait3A, %mul3A_2] : memref<128x4096xf32, #tpu.memory_space<hbm>> -> memref<128x128xf32, #tpu.memory_space<hbm>>
      %dma_wait3A_14 = arith.constant 0 : i32
      %dma_wait3A_15 = tpu.memref_slice %arg5[%dma_wait3A_14, %mul3A_2] : memref<128x4096xf32, #tpu.memory_space<hbm>> -> memref<128x128xf32, #tpu.memory_space<hbm>>
      tpu.wait_dma2 semaphore(%run_scoped3A : memref<!tpu.dma_semaphore, #tpu.memory_space<semaphore_mem>>) src(%dma_wait3A_15 : memref<128x128xf32, #tpu.memory_space<hbm>>) dst(%arg14 : memref<128x128xf32, #tpu.memory_space<vmem>>)
      tpu.yield
    }) : () -> ()
    "tpu.region"() ({
      %run_scoped3A = tpu.sem_alloc : memref<!tpu.dma_semaphore, #tpu.memory_space<semaphore_mem>>
      %dma_start3A = arith.constant 0 : i32
      %dma_start3A_10 = tpu.memref_slice %arg6[%dma_start3A, %mul3A_2] : memref<128x4096xf32, #tpu.memory_space<hbm>> -> memref<128x128xf32, #tpu.memory_space<hbm>>
      %dma_start3A_11 = arith.constant 0 : i32
      %dma_start3A_12 = tpu.memref_slice %arg6[%dma_start3A_11, %mul3A_2] : memref<128x4096xf32, #tpu.memory_space<hbm>> -> memref<128x128xf32, #tpu.memory_space<hbm>>
      tpu.enqueue_dma source(%dma_start3A_12 : memref<128x128xf32, #tpu.memory_space<hbm>>) target(%arg15 : memref<128x128xf32, #tpu.memory_space<vmem>>) target_semaphore(%run_scoped3A : memref<!tpu.dma_semaphore, #tpu.memory_space<semaphore_mem>>)
      %dma_wait3A = arith.constant 0 : i32
      %dma_wait3A_13 = tpu.memref_slice %arg6[%dma_wait3A, %mul3A_2] : memref<128x4096xf32, #tpu.memory_space<hbm>> -> memref<128x128xf32, #tpu.memory_space<hbm>>
      %dma_wait3A_14 = arith.constant 0 : i32
      %dma_wait3A_15 = tpu.memref_slice %arg6[%dma_wait3A_14, %mul3A_2] : memref<128x4096xf32, #tpu.memory_space<hbm>> -> memref<128x128xf32, #tpu.memory_space<hbm>>
      tpu.wait_dma2 semaphore(%run_scoped3A : memref<!tpu.dma_semaphore, #tpu.memory_space<semaphore_mem>>) src(%dma_wait3A_15 : memref<128x128xf32, #tpu.memory_space<hbm>>) dst(%arg15 : memref<128x128xf32, #tpu.memory_space<vmem>>)
      tpu.yield
    }) : () -> ()
    "tpu.region"() ({
      %run_scoped3A = tpu.sem_alloc : memref<!tpu.dma_semaphore, #tpu.memory_space<semaphore_mem>>
      %dma_start3A = arith.constant 0 : i32
      %dma_start3A_10 = tpu.memref_slice %arg7[%dma_start3A, %mul3A_2] : memref<128x4096xf32, #tpu.memory_space<hbm>> -> memref<128x128xf32, #tpu.memory_space<hbm>>
      %dma_start3A_11 = arith.constant 0 : i32
      %dma_start3A_12 = tpu.memref_slice %arg7[%dma_start3A_11, %mul3A_2] : memref<128x4096xf32, #tpu.memory_space<hbm>> -> memref<128x128xf32, #tpu.memory_space<hbm>>
      tpu.enqueue_dma source(%dma_start3A_12 : memref<128x128xf32, #tpu.memory_space<hbm>>) target(%arg16 : memref<128x128xf32, #tpu.memory_space<vmem>>) target_semaphore(%run_scoped3A : memref<!tpu.dma_semaphore, #tpu.memory_space<semaphore_mem>>)
      %dma_wait3A = arith.constant 0 : i32
      %dma_wait3A_13 = tpu.memref_slice %arg7[%dma_wait3A, %mul3A_2] : memref<128x4096xf32, #tpu.memory_space<hbm>> -> memref<128x128xf32, #tpu.memory_space<hbm>>
      %dma_wait3A_14 = arith.constant 0 : i32
      %dma_wait3A_15 = tpu.memref_slice %arg7[%dma_wait3A_14, %mul3A_2] : memref<128x4096xf32, #tpu.memory_space<hbm>> -> memref<128x128xf32, #tpu.memory_space<hbm>>
      tpu.wait_dma2 semaphore(%run_scoped3A : memref<!tpu.dma_semaphore, #tpu.memory_space<semaphore_mem>>) src(%dma_wait3A_15 : memref<128x128xf32, #tpu.memory_space<hbm>>) dst(%arg16 : memref<128x128xf32, #tpu.memory_space<vmem>>)
      tpu.yield
    }) : () -> ()
    "tpu.region"() ({
      %run_scoped3A = tpu.sem_alloc : memref<!tpu.dma_semaphore, #tpu.memory_space<semaphore_mem>>
      %dma_start3A = arith.constant 0 : i32
      %dma_start3A_10 = tpu.memref_slice %arg8[%dma_start3A, %mul3A_2] : memref<4x4096xf32, #tpu.memory_space<hbm>> -> memref<4x128xf32, #tpu.memory_space<hbm>>
      %dma_start3A_11 = arith.constant 0 : i32
      %dma_start3A_12 = tpu.memref_slice %arg8[%dma_start3A_11, %mul3A_2] : memref<4x4096xf32, #tpu.memory_space<hbm>> -> memref<4x128xf32, #tpu.memory_space<hbm>>
      tpu.enqueue_dma source(%dma_start3A_12 : memref<4x128xf32, #tpu.memory_space<hbm>>) target(%arg17 : memref<4x128xf32, #tpu.memory_space<vmem>>) target_semaphore(%run_scoped3A : memref<!tpu.dma_semaphore, #tpu.memory_space<semaphore_mem>>)
      %dma_wait3A = arith.constant 0 : i32
      %dma_wait3A_13 = tpu.memref_slice %arg8[%dma_wait3A, %mul3A_2] : memref<4x4096xf32, #tpu.memory_space<hbm>> -> memref<4x128xf32, #tpu.memory_space<hbm>>
      %dma_wait3A_14 = arith.constant 0 : i32
      %dma_wait3A_15 = tpu.memref_slice %arg8[%dma_wait3A_14, %mul3A_2] : memref<4x4096xf32, #tpu.memory_space<hbm>> -> memref<4x128xf32, #tpu.memory_space<hbm>>
      tpu.wait_dma2 semaphore(%run_scoped3A : memref<!tpu.dma_semaphore, #tpu.memory_space<semaphore_mem>>) src(%dma_wait3A_15 : memref<4x128xf32, #tpu.memory_space<hbm>>) dst(%arg17 : memref<4x128xf32, #tpu.memory_space<vmem>>)
      tpu.yield
    }) : () -> ()
    %scan3A = arith.constant 0xFF800000 : f32
    %scan3A_3 = arith.constant 0 : i32
    %scan3A_4 = arith.constant 0 : i32
    %scan3A_5 = arith.constant 8 : i32
    %scan3A_6 = arith.addi %scan3A_4, %scan3A_5 : i32
    %scan3A_7 = arith.constant 1 : i32
    %scan3A_8 = scf.for %scan3A_10 = %scan3A_4 to %scan3A_6 step %scan3A_7 iter_args(%scan3A_11 = %scan3A_3) -> (i32)  : i32 {
      %mul3A_12 = arith.constant 16 : i32
      %mul3A_13 = arith.muli %scan3A_10, %mul3A_12 : i32
      %get3A = arith.constant 0 : i32
      %get3A_14 = arith.index_cast %get3A : i32 to index
      %get3A_15 = arith.index_cast %mul3A_13 : i32 to index
      %get3A_16 = tpu.vector_load %arg17[%get3A_14, %get3A_15] {strides = array<i32>} : memref<4x128xf32, #tpu.memory_space<vmem>>, vector<16xf32>,
      %get3A_17 = arith.constant 1 : i32
      %get3A_18 = arith.index_cast %get3A_17 : i32 to index
      %get3A_19 = arith.index_cast %mul3A_13 : i32 to index
      %get3A_20 = tpu.vector_load %arg17[%get3A_18, %get3A_19] {strides = array<i32>} : memref<4x128xf32, #tpu.memory_space<vmem>>, vector<16xf32>,
      %get3A_21 = arith.constant 2 : i32
      %get3A_22 = arith.index_cast %get3A_21 : i32 to index
      %get3A_23 = arith.index_cast %mul3A_13 : i32 to index
      %get3A_24 = tpu.vector_load %arg17[%get3A_22, %get3A_23] {strides = array<i32>} : memref<4x128xf32, #tpu.memory_space<vmem>>, vector<16xf32>,
      %get3A_25 = arith.constant 3 : i32
      %get3A_26 = arith.index_cast %get3A_25 : i32 to index
      %get3A_27 = arith.index_cast %mul3A_13 : i32 to index
      %get3A_28 = tpu.vector_load %arg17[%get3A_26, %get3A_27] {strides = array<i32>} : memref<4x128xf32, #tpu.memory_space<vmem>>, vector<16xf32>,
      %broadcast_in_dim3A = arith.constant 0.000000e+00 : f32
      %broadcast_in_dim3A_29 = vector.broadcast %broadcast_in_dim3A : f32 to vector<16xf32>
      %scan3A_30 = arith.constant 0 : i32
      %scan3A_31 = arith.constant 32 : i32
      %scan3A_32 = arith.addi %scan3A_30, %scan3A_31 : i32
      %scan3A_33 = arith.constant 1 : i32
      %scan3A_34 = scf.for %scan3A_983 = %scan3A_30 to %scan3A_32 step %scan3A_33 iter_args(%scan3A_984 = %broadcast_in_dim3A_29) -> (vector<16xf32>)  : i32 {
        %mul3A_985 = arith.constant 4 : i32
        %mul3A_986 = arith.muli %scan3A_983, %mul3A_985 : i32
        %add3A_987 = arith.constant 0 : i32
        %add3A_988 = arith.addi %mul3A_986, %add3A_987 : i32
        %get3A_989 = arith.index_cast %add3A_988 : i32 to index
        %get3A_990 = arith.index_cast %mul3A_13 : i32 to index
        %get3A_991 = tpu.vector_load %arg16[%get3A_989, %get3A_990] {strides = array<i32>} : memref<128x128xf32, #tpu.memory_space<vmem>>, vector<16xf32>,
        %get3A_992 = arith.index_cast %add3A_988 : i32 to index
        %get3A_993 = arith.index_cast %mul3A_13 : i32 to index
        %get3A_994 = tpu.vector_load %arg15[%get3A_992, %get3A_993] {strides = array<i32>} : memref<128x128xf32, #tpu.memory_space<vmem>>, vector<16xf32>,
        %gt3A_995 = arith.constant 5.000000e-01 : f32
        %gt3A_996 = vector.broadcast %gt3A_995 : f32 to vector<16xf32>
        %gt3A_997 = arith.cmpf ogt, %get3A_991, %gt3A_996 : vector<16xf32>
        %le3A_998 = arith.constant 1.200000e+02 : f32
        %le3A_999 = vector.broadcast %le3A_998 : f32 to vector<16xf32>
        %le3A_1000 = arith.cmpf ole, %get3A_994, %le3A_999 : vector<16xf32>
        %and3A_1001 = arith.andi %gt3A_997, %le3A_1000 : vector<16xi1>
        %jit3A_1002 = arith.constant 1.000000e+00 : f32
        %broadcast_in_dim3A_1003 = vector.broadcast %jit3A_1002 : f32 to vector<16xf32>
        %select_n3A_1004 = arith.select %and3A_1001, %broadcast_in_dim3A_1003, %scan3A_984 : vector<16xi1>, vector<16xf32>
        %mul3A_1005 = arith.constant 4 : i32
        %mul3A_1006 = arith.muli %scan3A_983, %mul3A_1005 : i32
        %add3A_1007 = arith.constant 1 : i32
        %add3A_1008 = arith.addi %mul3A_1006, %add3A_1007 : i32
        %get3A_1009 = arith.index_cast %add3A_1008 : i32 to index
        %get3A_1010 = arith.index_cast %mul3A_13 : i32 to index
        %get3A_1011 = tpu.vector_load %arg16[%get3A_1009, %get3A_1010] {strides = array<i32>} : memref<128x128xf32, #tpu.memory_space<vmem>>, vector<16xf32>,
        %get3A_1012 = arith.index_cast %add3A_1008 : i32 to index
        %get3A_1013 = arith.index_cast %mul3A_13 : i32 to index
        %get3A_1014 = tpu.vector_load %arg15[%get3A_1012, %get3A_1013] {strides = array<i32>} : memref<128x128xf32, #tpu.memory_space<vmem>>, vector<16xf32>,
        %gt3A_1015 = arith.constant 5.000000e-01 : f32
        %gt3A_1016 = vector.broadcast %gt3A_1015 : f32 to vector<16xf32>
        %gt3A_1017 = arith.cmpf ogt, %get3A_1011, %gt3A_1016 : vector<16xf32>
        %le3A_1018 = arith.constant 1.200000e+02 : f32
        %le3A_1019 = vector.broadcast %le3A_1018 : f32 to vector<16xf32>
        %le3A_1020 = arith.cmpf ole, %get3A_1014, %le3A_1019 : vector<16xf32>
        %and3A_1021 = arith.andi %gt3A_1017, %le3A_1020 : vector<16xi1>
        %jit3A_1022 = arith.constant 1.000000e+00 : f32
        %broadcast_in_dim3A_1023 = vector.broadcast %jit3A_1022 : f32 to vector<16xf32>
        %select_n3A_1024 = arith.select %and3A_1021, %broadcast_in_dim3A_1023, %select_n3A_1004 : vector<16xi1>, vector<16xf32>
        %mul3A_1025 = arith.constant 4 : i32
        %mul3A_1026 = arith.muli %scan3A_983, %mul3A_1025 : i32
        %add3A_1027 = arith.constant 2 : i32
        %add3A_1028 = arith.addi %mul3A_1026, %add3A_1027 : i32
        %get3A_1029 = arith.index_cast %add3A_1028 : i32 to index
        %get3A_1030 = arith.index_cast %mul3A_13 : i32 to index
        %get3A_1031 = tpu.vector_load %arg16[%get3A_1029, %get3A_1030] {strides = array<i32>} : memref<128x128xf32, #tpu.memory_space<vmem>>, vector<16xf32>,
        %get3A_1032 = arith.index_cast %add3A_1028 : i32 to index
        %get3A_1033 = arith.index_cast %mul3A_13 : i32 to index
        %get3A_1034 = tpu.vector_load %arg15[%get3A_1032, %get3A_1033] {strides = array<i32>} : memref<128x128xf32, #tpu.memory_space<vmem>>, vector<16xf32>,
        %gt3A_1035 = arith.constant 5.000000e-01 : f32
        %gt3A_1036 = vector.broadcast %gt3A_1035 : f32 to vector<16xf32>
        %gt3A_1037 = arith.cmpf ogt, %get3A_1031, %gt3A_1036 : vector<16xf32>
        %le3A_1038 = arith.constant 1.200000e+02 : f32
        %le3A_1039 = vector.broadcast %le3A_1038 : f32 to vector<16xf32>
        %le3A_1040 = arith.cmpf ole, %get3A_1034, %le3A_1039 : vector<16xf32>
        %and3A_1041 = arith.andi %gt3A_1037, %le3A_1040 : vector<16xi1>
        %jit3A_1042 = arith.constant 1.000000e+00 : f32
        %broadcast_in_dim3A_1043 = vector.broadcast %jit3A_1042 : f32 to vector<16xf32>
        %select_n3A_1044 = arith.select %and3A_1041, %broadcast_in_dim3A_1043, %select_n3A_1024 : vector<16xi1>, vector<16xf32>
        %mul3A_1045 = arith.constant 4 : i32
        %mul3A_1046 = arith.muli %scan3A_983, %mul3A_1045 : i32
        %add3A_1047 = arith.constant 3 : i32
        %add3A_1048 = arith.addi %mul3A_1046, %add3A_1047 : i32
        %get3A_1049 = arith.index_cast %add3A_1048 : i32 to index
        %get3A_1050 = arith.index_cast %mul3A_13 : i32 to index
        %get3A_1051 = tpu.vector_load %arg16[%get3A_1049, %get3A_1050] {strides = array<i32>} : memref<128x128xf32, #tpu.memory_space<vmem>>, vector<16xf32>,
        %get3A_1052 = arith.index_cast %add3A_1048 : i32 to index
        %get3A_1053 = arith.index_cast %mul3A_13 : i32 to index
        %get3A_1054 = tpu.vector_load %arg15[%get3A_1052, %get3A_1053] {strides = array<i32>} : memref<128x128xf32, #tpu.memory_space<vmem>>, vector<16xf32>,
        %gt3A_1055 = arith.constant 5.000000e-01 : f32
        %gt3A_1056 = vector.broadcast %gt3A_1055 : f32 to vector<16xf32>
        %gt3A_1057 = arith.cmpf ogt, %get3A_1051, %gt3A_1056 : vector<16xf32>
        %le3A_1058 = arith.constant 1.200000e+02 : f32
        %le3A_1059 = vector.broadcast %le3A_1058 : f32 to vector<16xf32>
        %le3A_1060 = arith.cmpf ole, %get3A_1054, %le3A_1059 : vector<16xf32>
        %and3A_1061 = arith.andi %gt3A_1057, %le3A_1060 : vector<16xi1>
        %jit3A_1062 = arith.constant 1.000000e+00 : f32
        %broadcast_in_dim3A_1063 = vector.broadcast %jit3A_1062 : f32 to vector<16xf32>
        %select_n3A_1064 = arith.select %and3A_1061, %broadcast_in_dim3A_1063, %select_n3A_1044 : vector<16xi1>, vector<16xf32>
        scf.yield %select_n3A_1064 : vector<16xf32>
      }
      %scan3A_35 = arith.constant 32 : i32
      %lt3A = arith.constant 5.000000e-01 : f32
      %lt3A_36 = vector.broadcast %lt3A : f32 to vector<16xf32>
      %lt3A_37 = arith.cmpf olt, %scan3A_34, %lt3A_36 : vector<16xf32>
      %broadcast_in_dim3A_38 = vector.broadcast %scan3A : f32 to vector<16xf32>
      %broadcast_in_dim3A_39 = arith.constant 1073741824 : i32
      %broadcast_in_dim3A_40 = vector.broadcast %broadcast_in_dim3A_39 : i32 to vector<16xi32>
      %get3A_41 = arith.constant 0 : i32
      %get3A_42 = arith.index_cast %get3A_41 : i32 to index
      %get3A_43 = arith.index_cast %mul3A_13 : i32 to index
      %get3A_44 = tpu.vector_load %arg11[%get3A_42, %get3A_43] {strides = array<i32>} : memref<128x128xf32, #tpu.memory_space<vmem>>, vector<16xf32>,
      %get3A_45 = arith.constant 0 : i32
      %get3A_46 = arith.index_cast %get3A_45 : i32 to index
      %get3A_47 = arith.index_cast %mul3A_13 : i32 to index
      %get3A_48 = tpu.vector_load %arg12[%get3A_46, %get3A_47] {strides = array<i32>} : memref<128x128xf32, #tpu.memory_space<vmem>>, vector<16xf32>,
      %get3A_49 = arith.constant 0 : i32
      %get3A_50 = arith.index_cast %get3A_49 : i32 to index
      %get3A_51 = arith.index_cast %mul3A_13 : i32 to index
      %get3A_52 = tpu.vector_load %arg13[%get3A_50, %get3A_51] {strides = array<i32>} : memref<128x128xf32, #tpu.memory_space<vmem>>, vector<16xf32>,
      %get3A_53 = arith.constant 0 : i32
      %get3A_54 = arith.index_cast %get3A_53 : i32 to index
      %get3A_55 = arith.index_cast %mul3A_13 : i32 to index
      %get3A_56 = tpu.vector_load %arg14[%get3A_54, %get3A_55] {strides = array<i32>} : memref<128x128xf32, #tpu.memory_space<vmem>>, vector<16xf32>,
      %get3A_57 = arith.constant 0 : i32
      %get3A_58 = arith.index_cast %get3A_57 : i32 to index
      %get3A_59 = arith.index_cast %mul3A_13 : i32 to index
      %get3A_60 = tpu.vector_load %arg15[%get3A_58, %get3A_59] {strides = array<i32>} : memref<128x128xf32, #tpu.memory_space<vmem>>, vector<16xf32>,
      %get3A_61 = arith.constant 0 : i32
      %get3A_62 = arith.index_cast %get3A_61 : i32 to index
      %get3A_63 = arith.index_cast %mul3A_13 : i32 to index
      %get3A_64 = tpu.vector_load %arg16[%get3A_62, %get3A_63] {strides = array<i32>} : memref<128x128xf32, #tpu.memory_space<vmem>>, vector<16xf32>,
      %sub3A = arith.subf %get3A_56, %get3A_28 : vector<16xf32>
      %abs3A = math.absf %sub3A : vector<16xf32>
      %lt3A_65 = arith.constant 5.000000e-01 : f32
      %lt3A_66 = vector.broadcast %lt3A_65 : f32 to vector<16xf32>
      %lt3A_67 = arith.cmpf olt, %abs3A, %lt3A_66 : vector<16xf32>
      %jit3A = arith.constant 2.000000e-01 : f32
      %jit3A_68 = arith.constant 0.000000e+00 : f32
      %broadcast_in_dim3A_69 = vector.broadcast %jit3A : f32 to vector<16xf32>
      %broadcast_in_dim3A_70 = vector.broadcast %jit3A_68 : f32 to vector<16xf32>
      %select_n3A = arith.select %lt3A_67, %broadcast_in_dim3A_69, %broadcast_in_dim3A_70 : vector<16xi1>, vector<16xf32>
      %sub3A_71 = arith.constant 1.000000e+00 : f32
      %sub3A_72 = vector.broadcast %sub3A_71 : f32 to vector<16xf32>
      %sub3A_73 = arith.subf %abs3A, %sub3A_72 : vector<16xf32>
      %abs3A_74 = math.absf %sub3A_73 : vector<16xf32>
      %lt3A_75 = arith.constant 5.000000e-01 : f32
      %lt3A_76 = vector.broadcast %lt3A_75 : f32 to vector<16xf32>
      %lt3A_77 = arith.cmpf olt, %abs3A_74, %lt3A_76 : vector<16xf32>
      %jit3A_78 = arith.constant 1.000000e-01 : f32
      %jit3A_79 = arith.constant 0.000000e+00 : f32
      %broadcast_in_dim3A_80 = vector.broadcast %jit3A_78 : f32 to vector<16xf32>
      %broadcast_in_dim3A_81 = vector.broadcast %jit3A_79 : f32 to vector<16xf32>
      %select_n3A_82 = arith.select %lt3A_77, %broadcast_in_dim3A_80, %broadcast_in_dim3A_81 : vector<16xi1>, vector<16xf32>
      %add3A_83 = arith.addf %select_n3A, %select_n3A_82 : vector<16xf32>
      %sub3A_84 = arith.subf %get3A_44, %get3A_16 : vector<16xf32>
      %abs3A_85 = math.absf %sub3A_84 : vector<16xf32>
      %sub3A_86 = arith.subf %get3A_48, %get3A_20 : vector<16xf32>
      %abs3A_87 = math.absf %sub3A_86 : vector<16xf32>
      %sub3A_88 = arith.subf %get3A_24, %get3A_52 : vector<16xf32>
      %max3A = arith.constant 0.000000e+00 : f32
      %max3A_89 = vector.broadcast %max3A : f32 to vector<16xf32>
      %max3A_90 = arith.maximumf %sub3A_88, %max3A_89 : vector<16xf32>
      %add3A_91 = arith.constant 1.000000e+00 : f32
      %add3A_92 = vector.broadcast %add3A_91 : f32 to vector<16xf32>
      %add3A_93 = arith.addf %abs3A_87, %add3A_92 : vector<16xf32>
      %div3A = arith.constant 1.250000e+00 : f32
      %div3A_94 = vector.broadcast %div3A : f32 to vector<16xf32>
      %div3A_95 = arith.divf %div3A_94, %add3A_93 : vector<16xf32>
      %add3A_96 = arith.constant 1.000000e+00 : f32
      %add3A_97 = vector.broadcast %add3A_96 : f32 to vector<16xf32>
      %add3A_98 = arith.addf %get3A_60, %add3A_97 : vector<16xf32>
      %div3A_99 = arith.constant 7.500000e-01 : f32
      %div3A_100 = vector.broadcast %div3A_99 : f32 to vector<16xf32>
      %div3A_101 = arith.divf %div3A_100, %add3A_98 : vector<16xf32>
      %add3A_102 = arith.addf %div3A_95, %div3A_101 : vector<16xf32>
      %mul3A_103 = arith.constant 1.000000e-01 : f32
      %mul3A_104 = vector.broadcast %mul3A_103 : f32 to vector<16xf32>
      %mul3A_105 = arith.mulf %max3A_90, %mul3A_104 : vector<16xf32>
      %min3A = arith.constant 2.000000e+00 : f32
      %min3A_106 = vector.broadcast %min3A : f32 to vector<16xf32>
      %min3A_107 = arith.minimumf %mul3A_105, %min3A_106 : vector<16xf32>
      %mul3A_108 = arith.constant 2.500000e-01 : f32
      %mul3A_109 = vector.broadcast %mul3A_108 : f32 to vector<16xf32>
      %mul3A_110 = arith.mulf %mul3A_109, %min3A_107 : vector<16xf32>
      %add3A_111 = arith.addf %add3A_102, %mul3A_110 : vector<16xf32>
      %add3A_112 = arith.addf %add3A_111, %add3A_83 : vector<16xf32>
      %add3A_113 = arith.constant 1.000000e+00 : f32
      %add3A_114 = vector.broadcast %add3A_113 : f32 to vector<16xf32>
      %add3A_115 = arith.addf %abs3A_85, %add3A_114 : vector<16xf32>
      %div3A_116 = arith.constant 1.500000e-01 : f32
      %div3A_117 = vector.broadcast %div3A_116 : f32 to vector<16xf32>
      %div3A_118 = arith.divf %div3A_117, %add3A_115 : vector<16xf32>
      %add3A_119 = arith.addf %add3A_112, %div3A_118 : vector<16xf32>
      %gt3A = arith.constant 5.000000e-01 : f32
      %gt3A_120 = vector.broadcast %gt3A : f32 to vector<16xf32>
      %gt3A_121 = arith.cmpf ogt, %get3A_64, %gt3A_120 : vector<16xf32>
      %le3A = arith.constant 1.200000e+02 : f32
      %le3A_122 = vector.broadcast %le3A : f32 to vector<16xf32>
      %le3A_123 = arith.cmpf ole, %get3A_60, %le3A_122 : vector<16xf32>
      %or3A = arith.ori %le3A_123, %lt3A_37 : vector<16xi1>
      %and3A = arith.andi %gt3A_121, %or3A : vector<16xi1>
      %broadcast_in_dim3A_124 = vector.broadcast %scan3A : f32 to vector<16xf32>
      %select_n3A_125 = arith.select %and3A, %add3A_119, %broadcast_in_dim3A_124 : vector<16xi1>, vector<16xf32>
      %broadcast_in_dim3A_126 = arith.constant 0 : i32
      %broadcast_in_dim3A_127 = vector.broadcast %broadcast_in_dim3A_126 : i32 to vector<16xi32>
      %gt3A_128 = arith.cmpf ogt, %select_n3A_125, %broadcast_in_dim3A_38 : vector<16xf32>
      %eq3A = arith.cmpf oeq, %select_n3A_125, %broadcast_in_dim3A_38 : vector<16xf32>
      %lt3A_129 = arith.cmpi slt, %broadcast_in_dim3A_127, %broadcast_in_dim3A_40 : vector<16xi32>
      %and3A_130 = arith.andi %eq3A, %lt3A_129 : vector<16xi1>
      %or3A_131 = arith.ori %gt3A_128, %and3A_130 : vector<16xi1>
      %gt3A_132 = arith.cmpf ogt, %select_n3A_125, %broadcast_in_dim3A_38 : vector<16xf32>
      %eq3A_133 = arith.cmpf oeq, %select_n3A_125, %broadcast_in_dim3A_38 : vector<16xf32>
      %lt3A_134 = arith.cmpi slt, %broadcast_in_dim3A_127, %broadcast_in_dim3A_40 : vector<16xi32>
      %and3A_135 = arith.andi %eq3A_133, %lt3A_134 : vector<16xi1>
      %or3A_136 = arith.ori %gt3A_132, %and3A_135 : vector<16xi1>
      %gt3A_137 = arith.cmpf ogt, %select_n3A_125, %broadcast_in_dim3A_38 : vector<16xf32>
      %eq3A_138 = arith.cmpf oeq, %select_n3A_125, %broadcast_in_dim3A_38 : vector<16xf32>
      %lt3A_139 = arith.cmpi slt, %broadcast_in_dim3A_127, %broadcast_in_dim3A_40 : vector<16xi32>
      %and3A_140 = arith.andi %eq3A_138, %lt3A_139 : vector<16xi1>
      %or3A_141 = arith.ori %gt3A_137, %and3A_140 : vector<16xi1>
      %gt3A_142 = arith.cmpf ogt, %select_n3A_125, %broadcast_in_dim3A_38 : vector<16xf32>
      %eq3A_143 = arith.cmpf oeq, %select_n3A_125, %broadcast_in_dim3A_38 : vector<16xf32>
      %lt3A_144 = arith.cmpi slt, %broadcast_in_dim3A_127, %broadcast_in_dim3A_40 : vector<16xi32>
      %and3A_145 = arith.andi %eq3A_143, %lt3A_144 : vector<16xi1>
      %or3A_146 = arith.ori %gt3A_142, %and3A_145 : vector<16xi1>
      %gt3A_147 = arith.cmpf ogt, %select_n3A_125, %broadcast_in_dim3A_38 : vector<16xf32>
      %eq3A_148 = arith.cmpf oeq, %select_n3A_125, %broadcast_in_dim3A_38 : vector<16xf32>
      %lt3A_149 = arith.cmpi slt, %broadcast_in_dim3A_127, %broadcast_in_dim3A_40 : vector<16xi32>
      %and3A_150 = arith.andi %eq3A_148, %lt3A_149 : vector<16xi1>
      %or3A_151 = arith.ori %gt3A_147, %and3A_150 : vector<16xi1>
      %gt3A_152 = arith.cmpf ogt, %select_n3A_125, %broadcast_in_dim3A_38 : vector<16xf32>
      %eq3A_153 = arith.cmpf oeq, %select_n3A_125, %broadcast_in_dim3A_38 : vector<16xf32>
      %lt3A_154 = arith.cmpi slt, %broadcast_in_dim3A_127, %broadcast_in_dim3A_40 : vector<16xi32>
      %and3A_155 = arith.andi %eq3A_153, %lt3A_154 : vector<16xi1>
      %or3A_156 = arith.ori %gt3A_152, %and3A_155 : vector<16xi1>
      %select_n3A_157 = arith.select %or3A_131, %select_n3A_125, %broadcast_in_dim3A_38 : vector<16xi1>, vector<16xf32>
      %select_n3A_158 = arith.select %or3A_131, %broadcast_in_dim3A_127, %broadcast_in_dim3A_40 : vector<16xi1>, vector<16xi32>
      %select_n3A_159 = arith.select %or3A_131, %broadcast_in_dim3A_38, %select_n3A_125 : vector<16xi1>, vector<16xf32>
      %select_n3A_160 = arith.select %or3A_136, %select_n3A_159, %broadcast_in_dim3A_38 : vector<16xi1>, vector<16xf32>
      %select_n3A_161 = arith.select %or3A_131, %broadcast_in_dim3A_40, %broadcast_in_dim3A_127 : vector<16xi1>, vector<16xi32>
      %select_n3A_162 = arith.select %or3A_136, %select_n3A_161, %broadcast_in_dim3A_40 : vector<16xi1>, vector<16xi32>
      %select_n3A_163 = arith.select %or3A_136, %broadcast_in_dim3A_38, %select_n3A_125 : vector<16xi1>, vector<16xf32>
      %select_n3A_164 = arith.select %or3A_141, %select_n3A_163, %broadcast_in_dim3A_38 : vector<16xi1>, vector<16xf32>
      %select_n3A_165 = arith.select %or3A_136, %broadcast_in_dim3A_40, %broadcast_in_dim3A_127 : vector<16xi1>, vector<16xi32>
      %select_n3A_166 = arith.select %or3A_141, %select_n3A_165, %broadcast_in_dim3A_40 : vector<16xi1>, vector<16xi32>
      %select_n3A_167 = arith.select %or3A_141, %broadcast_in_dim3A_38, %select_n3A_125 : vector<16xi1>, vector<16xf32>
      %select_n3A_168 = arith.select %or3A_146, %select_n3A_167, %broadcast_in_dim3A_38 : vector<16xi1>, vector<16xf32>
      %select_n3A_169 = arith.select %or3A_141, %broadcast_in_dim3A_40, %broadcast_in_dim3A_127 : vector<16xi1>, vector<16xi32>
      %select_n3A_170 = arith.select %or3A_146, %select_n3A_169, %broadcast_in_dim3A_40 : vector<16xi1>, vector<16xi32>
      %select_n3A_171 = arith.select %or3A_146, %broadcast_in_dim3A_38, %select_n3A_125 : vector<16xi1>, vector<16xf32>
      %select_n3A_172 = arith.select %or3A_151, %select_n3A_171, %broadcast_in_dim3A_38 : vector<16xi1>, vector<16xf32>
      %select_n3A_173 = arith.select %or3A_146, %broadcast_in_dim3A_40, %broadcast_in_dim3A_127 : vector<16xi1>, vector<16xi32>
      %select_n3A_174 = arith.select %or3A_151, %select_n3A_173, %broadcast_in_dim3A_40 : vector<16xi1>, vector<16xi32>
      %select_n3A_175 = arith.select %or3A_151, %broadcast_in_dim3A_38, %select_n3A_125 : vector<16xi1>, vector<16xf32>
      %select_n3A_176 = arith.select %or3A_156, %select_n3A_175, %broadcast_in_dim3A_38 : vector<16xi1>, vector<16xf32>
      %select_n3A_177 = arith.select %or3A_151, %broadcast_in_dim3A_40, %broadcast_in_dim3A_127 : vector<16xi1>, vector<16xi32>
      %select_n3A_178 = arith.select %or3A_156, %select_n3A_177, %broadcast_in_dim3A_40 : vector<16xi1>, vector<16xi32>
      %get3A_179 = arith.constant 1 : i32
      %get3A_180 = arith.index_cast %get3A_179 : i32 to index
      %get3A_181 = arith.index_cast %mul3A_13 : i32 to index
      %get3A_182 = tpu.vector_load %arg11[%get3A_180, %get3A_181] {strides = array<i32>} : memref<128x128xf32, #tpu.memory_space<vmem>>, vector<16xf32>,
      %get3A_183 = arith.constant 1 : i32
      %get3A_184 = arith.index_cast %get3A_183 : i32 to index
      %get3A_185 = arith.index_cast %mul3A_13 : i32 to index
      %get3A_186 = tpu.vector_load %arg12[%get3A_184, %get3A_185] {strides = array<i32>} : memref<128x128xf32, #tpu.memory_space<vmem>>, vector<16xf32>,
      %get3A_187 = arith.constant 1 : i32
      %get3A_188 = arith.index_cast %get3A_187 : i32 to index
      %get3A_189 = arith.index_cast %mul3A_13 : i32 to index
      %get3A_190 = tpu.vector_load %arg13[%get3A_188, %get3A_189] {strides = array<i32>} : memref<128x128xf32, #tpu.memory_space<vmem>>, vector<16xf32>,
      %get3A_191 = arith.constant 1 : i32
      %get3A_192 = arith.index_cast %get3A_191 : i32 to index
      %get3A_193 = arith.index_cast %mul3A_13 : i32 to index
      %get3A_194 = tpu.vector_load %arg14[%get3A_192, %get3A_193] {strides = array<i32>} : memref<128x128xf32, #tpu.memory_space<vmem>>, vector<16xf32>,
      %get3A_195 = arith.constant 1 : i32
      %get3A_196 = arith.index_cast %get3A_195 : i32 to index
      %get3A_197 = arith.index_cast %mul3A_13 : i32 to index
      %get3A_198 = tpu.vector_load %arg15[%get3A_196, %get3A_197] {strides = array<i32>} : memref<128x128xf32, #tpu.memory_space<vmem>>, vector<16xf32>,
      %get3A_199 = arith.constant 1 : i32
      %get3A_200 = arith.index_cast %get3A_199 : i32 to index
      %get3A_201 = arith.index_cast %mul3A_13 : i32 to index
      %get3A_202 = tpu.vector_load %arg16[%get3A_200, %get3A_201] {strides = array<i32>} : memref<128x128xf32, #tpu.memory_space<vmem>>, vector<16xf32>,
      %sub3A_203 = arith.subf %get3A_194, %get3A_28 : vector<16xf32>
      %abs3A_204 = math.absf %sub3A_203 : vector<16xf32>
      %lt3A_205 = arith.constant 5.000000e-01 : f32
      %lt3A_206 = vector.broadcast %lt3A_205 : f32 to vector<16xf32>
      %lt3A_207 = arith.cmpf olt, %abs3A_204, %lt3A_206 : vector<16xf32>
      %jit3A_208 = arith.constant 2.000000e-01 : f32
      %jit3A_209 = arith.constant 0.000000e+00 : f32
      %broadcast_in_dim3A_210 = vector.broadcast %jit3A_208 : f32 to vector<16xf32>
      %broadcast_in_dim3A_211 = vector.broadcast %jit3A_209 : f32 to vector<16xf32>
      %select_n3A_212 = arith.select %lt3A_207, %broadcast_in_dim3A_210, %broadcast_in_dim3A_211 : vector<16xi1>, vector<16xf32>
      %sub3A_213 = arith.constant 1.000000e+00 : f32
      %sub3A_214 = vector.broadcast %sub3A_213 : f32 to vector<16xf32>
      %sub3A_215 = arith.subf %abs3A_204, %sub3A_214 : vector<16xf32>
      %abs3A_216 = math.absf %sub3A_215 : vector<16xf32>
      %lt3A_217 = arith.constant 5.000000e-01 : f32
      %lt3A_218 = vector.broadcast %lt3A_217 : f32 to vector<16xf32>
      %lt3A_219 = arith.cmpf olt, %abs3A_216, %lt3A_218 : vector<16xf32>
      %jit3A_220 = arith.constant 1.000000e-01 : f32
      %jit3A_221 = arith.constant 0.000000e+00 : f32
      %broadcast_in_dim3A_222 = vector.broadcast %jit3A_220 : f32 to vector<16xf32>
      %broadcast_in_dim3A_223 = vector.broadcast %jit3A_221 : f32 to vector<16xf32>
      %select_n3A_224 = arith.select %lt3A_219, %broadcast_in_dim3A_222, %broadcast_in_dim3A_223 : vector<16xi1>, vector<16xf32>
      %add3A_225 = arith.addf %select_n3A_212, %select_n3A_224 : vector<16xf32>
      %sub3A_226 = arith.subf %get3A_182, %get3A_16 : vector<16xf32>
      %abs3A_227 = math.absf %sub3A_226 : vector<16xf32>
      %sub3A_228 = arith.subf %get3A_186, %get3A_20 : vector<16xf32>
      %abs3A_229 = math.absf %sub3A_228 : vector<16xf32>
      %sub3A_230 = arith.subf %get3A_24, %get3A_190 : vector<16xf32>
      %max3A_231 = arith.constant 0.000000e+00 : f32
      %max3A_232 = vector.broadcast %max3A_231 : f32 to vector<16xf32>
      %max3A_233 = arith.maximumf %sub3A_230, %max3A_232 : vector<16xf32>
      %add3A_234 = arith.constant 1.000000e+00 : f32
      %add3A_235 = vector.broadcast %add3A_234 : f32 to vector<16xf32>
      %add3A_236 = arith.addf %abs3A_229, %add3A_235 : vector<16xf32>
      %div3A_237 = arith.constant 1.250000e+00 : f32
      %div3A_238 = vector.broadcast %div3A_237 : f32 to vector<16xf32>
      %div3A_239 = arith.divf %div3A_238, %add3A_236 : vector<16xf32>
      %add3A_240 = arith.constant 1.000000e+00 : f32
      %add3A_241 = vector.broadcast %add3A_240 : f32 to vector<16xf32>
      %add3A_242 = arith.addf %get3A_198, %add3A_241 : vector<16xf32>
      %div3A_243 = arith.constant 7.500000e-01 : f32
      %div3A_244 = vector.broadcast %div3A_243 : f32 to vector<16xf32>
      %div3A_245 = arith.divf %div3A_244, %add3A_242 : vector<16xf32>
      %add3A_246 = arith.addf %div3A_239, %div3A_245 : vector<16xf32>
      %mul3A_247 = arith.constant 1.000000e-01 : f32
      %mul3A_248 = vector.broadcast %mul3A_247 : f32 to vector<16xf32>
      %mul3A_249 = arith.mulf %max3A_233, %mul3A_248 : vector<16xf32>
      %min3A_250 = arith.constant 2.000000e+00 : f32
      %min3A_251 = vector.broadcast %min3A_250 : f32 to vector<16xf32>
      %min3A_252 = arith.minimumf %mul3A_249, %min3A_251 : vector<16xf32>
      %mul3A_253 = arith.constant 2.500000e-01 : f32
      %mul3A_254 = vector.broadcast %mul3A_253 : f32 to vector<16xf32>
      %mul3A_255 = arith.mulf %mul3A_254, %min3A_252 : vector<16xf32>
      %add3A_256 = arith.addf %add3A_246, %mul3A_255 : vector<16xf32>
      %add3A_257 = arith.addf %add3A_256, %add3A_225 : vector<16xf32>
      %add3A_258 = arith.constant 1.000000e+00 : f32
      %add3A_259 = vector.broadcast %add3A_258 : f32 to vector<16xf32>
      %add3A_260 = arith.addf %abs3A_227, %add3A_259 : vector<16xf32>
      %div3A_261 = arith.constant 1.500000e-01 : f32
      %div3A_262 = vector.broadcast %div3A_261 : f32 to vector<16xf32>
      %div3A_263 = arith.divf %div3A_262, %add3A_260 : vector<16xf32>
      %add3A_264 = arith.addf %add3A_257, %div3A_263 : vector<16xf32>
      %gt3A_265 = arith.constant 5.000000e-01 : f32
      %gt3A_266 = vector.broadcast %gt3A_265 : f32 to vector<16xf32>
      %gt3A_267 = arith.cmpf ogt, %get3A_202, %gt3A_266 : vector<16xf32>
      %le3A_268 = arith.constant 1.200000e+02 : f32
      %le3A_269 = vector.broadcast %le3A_268 : f32 to vector<16xf32>
      %le3A_270 = arith.cmpf ole, %get3A_198, %le3A_269 : vector<16xf32>
      %or3A_271 = arith.ori %le3A_270, %lt3A_37 : vector<16xi1>
      %and3A_272 = arith.andi %gt3A_267, %or3A_271 : vector<16xi1>
      %broadcast_in_dim3A_273 = vector.broadcast %scan3A : f32 to vector<16xf32>
      %select_n3A_274 = arith.select %and3A_272, %add3A_264, %broadcast_in_dim3A_273 : vector<16xi1>, vector<16xf32>
      %broadcast_in_dim3A_275 = arith.constant 1 : i32
      %broadcast_in_dim3A_276 = vector.broadcast %broadcast_in_dim3A_275 : i32 to vector<16xi32>
      %gt3A_277 = arith.cmpf ogt, %select_n3A_274, %select_n3A_157 : vector<16xf32>
      %eq3A_278 = arith.cmpf oeq, %select_n3A_274, %select_n3A_157 : vector<16xf32>
      %lt3A_279 = arith.cmpi slt, %broadcast_in_dim3A_276, %select_n3A_158 : vector<16xi32>
      %and3A_280 = arith.andi %eq3A_278, %lt3A_279 : vector<16xi1>
      %or3A_281 = arith.ori %gt3A_277, %and3A_280 : vector<16xi1>
      %gt3A_282 = arith.cmpf ogt, %select_n3A_274, %select_n3A_160 : vector<16xf32>
      %eq3A_283 = arith.cmpf oeq, %select_n3A_274, %select_n3A_160 : vector<16xf32>
      %lt3A_284 = arith.cmpi slt, %broadcast_in_dim3A_276, %select_n3A_162 : vector<16xi32>
      %and3A_285 = arith.andi %eq3A_283, %lt3A_284 : vector<16xi1>
      %or3A_286 = arith.ori %gt3A_282, %and3A_285 : vector<16xi1>
      %gt3A_287 = arith.cmpf ogt, %select_n3A_274, %select_n3A_164 : vector<16xf32>
      %eq3A_288 = arith.cmpf oeq, %select_n3A_274, %select_n3A_164 : vector<16xf32>
      %lt3A_289 = arith.cmpi slt, %broadcast_in_dim3A_276, %select_n3A_166 : vector<16xi32>
      %and3A_290 = arith.andi %eq3A_288, %lt3A_289 : vector<16xi1>
      %or3A_291 = arith.ori %gt3A_287, %and3A_290 : vector<16xi1>
      %gt3A_292 = arith.cmpf ogt, %select_n3A_274, %select_n3A_168 : vector<16xf32>
      %eq3A_293 = arith.cmpf oeq, %select_n3A_274, %select_n3A_168 : vector<16xf32>
      %lt3A_294 = arith.cmpi slt, %broadcast_in_dim3A_276, %select_n3A_170 : vector<16xi32>
      %and3A_295 = arith.andi %eq3A_293, %lt3A_294 : vector<16xi1>
      %or3A_296 = arith.ori %gt3A_292, %and3A_295 : vector<16xi1>
      %gt3A_297 = arith.cmpf ogt, %select_n3A_274, %select_n3A_172 : vector<16xf32>
      %eq3A_298 = arith.cmpf oeq, %select_n3A_274, %select_n3A_172 : vector<16xf32>
      %lt3A_299 = arith.cmpi slt, %broadcast_in_dim3A_276, %select_n3A_174 : vector<16xi32>
      %and3A_300 = arith.andi %eq3A_298, %lt3A_299 : vector<16xi1>
      %or3A_301 = arith.ori %gt3A_297, %and3A_300 : vector<16xi1>
      %gt3A_302 = arith.cmpf ogt, %select_n3A_274, %select_n3A_176 : vector<16xf32>
      %eq3A_303 = arith.cmpf oeq, %select_n3A_274, %select_n3A_176 : vector<16xf32>
      %lt3A_304 = arith.cmpi slt, %broadcast_in_dim3A_276, %select_n3A_178 : vector<16xi32>
      %and3A_305 = arith.andi %eq3A_303, %lt3A_304 : vector<16xi1>
      %or3A_306 = arith.ori %gt3A_302, %and3A_305 : vector<16xi1>
      %select_n3A_307 = arith.select %or3A_281, %select_n3A_274, %select_n3A_157 : vector<16xi1>, vector<16xf32>
      %select_n3A_308 = arith.select %or3A_281, %broadcast_in_dim3A_276, %select_n3A_158 : vector<16xi1>, vector<16xi32>
      %select_n3A_309 = arith.select %or3A_281, %select_n3A_157, %select_n3A_274 : vector<16xi1>, vector<16xf32>
      %select_n3A_310 = arith.select %or3A_286, %select_n3A_309, %select_n3A_160 : vector<16xi1>, vector<16xf32>
      %select_n3A_311 = arith.select %or3A_281, %select_n3A_158, %broadcast_in_dim3A_276 : vector<16xi1>, vector<16xi32>
      %select_n3A_312 = arith.select %or3A_286, %select_n3A_311, %select_n3A_162 : vector<16xi1>, vector<16xi32>
      %select_n3A_313 = arith.select %or3A_286, %select_n3A_160, %select_n3A_274 : vector<16xi1>, vector<16xf32>
      %select_n3A_314 = arith.select %or3A_291, %select_n3A_313, %select_n3A_164 : vector<16xi1>, vector<16xf32>
      %select_n3A_315 = arith.select %or3A_286, %select_n3A_162, %broadcast_in_dim3A_276 : vector<16xi1>, vector<16xi32>
      %select_n3A_316 = arith.select %or3A_291, %select_n3A_315, %select_n3A_166 : vector<16xi1>, vector<16xi32>
      %select_n3A_317 = arith.select %or3A_291, %select_n3A_164, %select_n3A_274 : vector<16xi1>, vector<16xf32>
      %select_n3A_318 = arith.select %or3A_296, %select_n3A_317, %select_n3A_168 : vector<16xi1>, vector<16xf32>
      %select_n3A_319 = arith.select %or3A_291, %select_n3A_166, %broadcast_in_dim3A_276 : vector<16xi1>, vector<16xi32>
      %select_n3A_320 = arith.select %or3A_296, %select_n3A_319, %select_n3A_170 : vector<16xi1>, vector<16xi32>
      %select_n3A_321 = arith.select %or3A_296, %select_n3A_168, %select_n3A_274 : vector<16xi1>, vector<16xf32>
      %select_n3A_322 = arith.select %or3A_301, %select_n3A_321, %select_n3A_172 : vector<16xi1>, vector<16xf32>
      %select_n3A_323 = arith.select %or3A_296, %select_n3A_170, %broadcast_in_dim3A_276 : vector<16xi1>, vector<16xi32>
      %select_n3A_324 = arith.select %or3A_301, %select_n3A_323, %select_n3A_174 : vector<16xi1>, vector<16xi32>
      %select_n3A_325 = arith.select %or3A_301, %select_n3A_172, %select_n3A_274 : vector<16xi1>, vector<16xf32>
      %select_n3A_326 = arith.select %or3A_306, %select_n3A_325, %select_n3A_176 : vector<16xi1>, vector<16xf32>
      %select_n3A_327 = arith.select %or3A_301, %select_n3A_174, %broadcast_in_dim3A_276 : vector<16xi1>, vector<16xi32>
      %select_n3A_328 = arith.select %or3A_306, %select_n3A_327, %select_n3A_178 : vector<16xi1>, vector<16xi32>
      %get3A_329 = arith.constant 2 : i32
      %get3A_330 = arith.index_cast %get3A_329 : i32 to index
      %get3A_331 = arith.index_cast %mul3A_13 : i32 to index
      %get3A_332 = tpu.vector_load %arg11[%get3A_330, %get3A_331] {strides = array<i32>} : memref<128x128xf32, #tpu.memory_space<vmem>>, vector<16xf32>,
      %get3A_333 = arith.constant 2 : i32
      %get3A_334 = arith.index_cast %get3A_333 : i32 to index
      %get3A_335 = arith.index_cast %mul3A_13 : i32 to index
      %get3A_336 = tpu.vector_load %arg12[%get3A_334, %get3A_335] {strides = array<i32>} : memref<128x128xf32, #tpu.memory_space<vmem>>, vector<16xf32>,
      %get3A_337 = arith.constant 2 : i32
      %get3A_338 = arith.index_cast %get3A_337 : i32 to index
      %get3A_339 = arith.index_cast %mul3A_13 : i32 to index
      %get3A_340 = tpu.vector_load %arg13[%get3A_338, %get3A_339] {strides = array<i32>} : memref<128x128xf32, #tpu.memory_space<vmem>>, vector<16xf32>,
      %get3A_341 = arith.constant 2 : i32
      %get3A_342 = arith.index_cast %get3A_341 : i32 to index
      %get3A_343 = arith.index_cast %mul3A_13 : i32 to index
      %get3A_344 = tpu.vector_load %arg14[%get3A_342, %get3A_343] {strides = array<i32>} : memref<128x128xf32, #tpu.memory_space<vmem>>, vector<16xf32>,
      %get3A_345 = arith.constant 2 : i32
      %get3A_346 = arith.index_cast %get3A_345 : i32 to index
      %get3A_347 = arith.index_cast %mul3A_13 : i32 to index
      %get3A_348 = tpu.vector_load %arg15[%get3A_346, %get3A_347] {strides = array<i32>} : memref<128x128xf32, #tpu.memory_space<vmem>>, vector<16xf32>,
      %get3A_349 = arith.constant 2 : i32
      %get3A_350 = arith.index_cast %get3A_349 : i32 to index
      %get3A_351 = arith.index_cast %mul3A_13 : i32 to index
      %get3A_352 = tpu.vector_load %arg16[%get3A_350, %get3A_351] {strides = array<i32>} : memref<128x128xf32, #tpu.memory_space<vmem>>, vector<16xf32>,
      %sub3A_353 = arith.subf %get3A_344, %get3A_28 : vector<16xf32>
      %abs3A_354 = math.absf %sub3A_353 : vector<16xf32>
      %lt3A_355 = arith.constant 5.000000e-01 : f32
      %lt3A_356 = vector.broadcast %lt3A_355 : f32 to vector<16xf32>
      %lt3A_357 = arith.cmpf olt, %abs3A_354, %lt3A_356 : vector<16xf32>
      %jit3A_358 = arith.constant 2.000000e-01 : f32
      %jit3A_359 = arith.constant 0.000000e+00 : f32
      %broadcast_in_dim3A_360 = vector.broadcast %jit3A_358 : f32 to vector<16xf32>
      %broadcast_in_dim3A_361 = vector.broadcast %jit3A_359 : f32 to vector<16xf32>
      %select_n3A_362 = arith.select %lt3A_357, %broadcast_in_dim3A_360, %broadcast_in_dim3A_361 : vector<16xi1>, vector<16xf32>
      %sub3A_363 = arith.constant 1.000000e+00 : f32
      %sub3A_364 = vector.broadcast %sub3A_363 : f32 to vector<16xf32>
      %sub3A_365 = arith.subf %abs3A_354, %sub3A_364 : vector<16xf32>
      %abs3A_366 = math.absf %sub3A_365 : vector<16xf32>
      %lt3A_367 = arith.constant 5.000000e-01 : f32
      %lt3A_368 = vector.broadcast %lt3A_367 : f32 to vector<16xf32>
      %lt3A_369 = arith.cmpf olt, %abs3A_366, %lt3A_368 : vector<16xf32>
      %jit3A_370 = arith.constant 1.000000e-01 : f32
      %jit3A_371 = arith.constant 0.000000e+00 : f32
      %broadcast_in_dim3A_372 = vector.broadcast %jit3A_370 : f32 to vector<16xf32>
      %broadcast_in_dim3A_373 = vector.broadcast %jit3A_371 : f32 to vector<16xf32>
      %select_n3A_374 = arith.select %lt3A_369, %broadcast_in_dim3A_372, %broadcast_in_dim3A_373 : vector<16xi1>, vector<16xf32>
      %add3A_375 = arith.addf %select_n3A_362, %select_n3A_374 : vector<16xf32>
      %sub3A_376 = arith.subf %get3A_332, %get3A_16 : vector<16xf32>
      %abs3A_377 = math.absf %sub3A_376 : vector<16xf32>
      %sub3A_378 = arith.subf %get3A_336, %get3A_20 : vector<16xf32>
      %abs3A_379 = math.absf %sub3A_378 : vector<16xf32>
      %sub3A_380 = arith.subf %get3A_24, %get3A_340 : vector<16xf32>
      %max3A_381 = arith.constant 0.000000e+00 : f32
      %max3A_382 = vector.broadcast %max3A_381 : f32 to vector<16xf32>
      %max3A_383 = arith.maximumf %sub3A_380, %max3A_382 : vector<16xf32>
      %add3A_384 = arith.constant 1.000000e+00 : f32
      %add3A_385 = vector.broadcast %add3A_384 : f32 to vector<16xf32>
      %add3A_386 = arith.addf %abs3A_379, %add3A_385 : vector<16xf32>
      %div3A_387 = arith.constant 1.250000e+00 : f32
      %div3A_388 = vector.broadcast %div3A_387 : f32 to vector<16xf32>
      %div3A_389 = arith.divf %div3A_388, %add3A_386 : vector<16xf32>
      %add3A_390 = arith.constant 1.000000e+00 : f32
      %add3A_391 = vector.broadcast %add3A_390 : f32 to vector<16xf32>
      %add3A_392 = arith.addf %get3A_348, %add3A_391 : vector<16xf32>
      %div3A_393 = arith.constant 7.500000e-01 : f32
      %div3A_394 = vector.broadcast %div3A_393 : f32 to vector<16xf32>
      %div3A_395 = arith.divf %div3A_394, %add3A_392 : vector<16xf32>
      %add3A_396 = arith.addf %div3A_389, %div3A_395 : vector<16xf32>
      %mul3A_397 = arith.constant 1.000000e-01 : f32
      %mul3A_398 = vector.broadcast %mul3A_397 : f32 to vector<16xf32>
      %mul3A_399 = arith.mulf %max3A_383, %mul3A_398 : vector<16xf32>
      %min3A_400 = arith.constant 2.000000e+00 : f32
      %min3A_401 = vector.broadcast %min3A_400 : f32 to vector<16xf32>
      %min3A_402 = arith.minimumf %mul3A_399, %min3A_401 : vector<16xf32>
      %mul3A_403 = arith.constant 2.500000e-01 : f32
      %mul3A_404 = vector.broadcast %mul3A_403 : f32 to vector<16xf32>
      %mul3A_405 = arith.mulf %mul3A_404, %min3A_402 : vector<16xf32>
      %add3A_406 = arith.addf %add3A_396, %mul3A_405 : vector<16xf32>
      %add3A_407 = arith.addf %add3A_406, %add3A_375 : vector<16xf32>
      %add3A_408 = arith.constant 1.000000e+00 : f32
      %add3A_409 = vector.broadcast %add3A_408 : f32 to vector<16xf32>
      %add3A_410 = arith.addf %abs3A_377, %add3A_409 : vector<16xf32>
      %div3A_411 = arith.constant 1.500000e-01 : f32
      %div3A_412 = vector.broadcast %div3A_411 : f32 to vector<16xf32>
      %div3A_413 = arith.divf %div3A_412, %add3A_410 : vector<16xf32>
      %add3A_414 = arith.addf %add3A_407, %div3A_413 : vector<16xf32>
      %gt3A_415 = arith.constant 5.000000e-01 : f32
      %gt3A_416 = vector.broadcast %gt3A_415 : f32 to vector<16xf32>
      %gt3A_417 = arith.cmpf ogt, %get3A_352, %gt3A_416 : vector<16xf32>
      %le3A_418 = arith.constant 1.200000e+02 : f32
      %le3A_419 = vector.broadcast %le3A_418 : f32 to vector<16xf32>
      %le3A_420 = arith.cmpf ole, %get3A_348, %le3A_419 : vector<16xf32>
      %or3A_421 = arith.ori %le3A_420, %lt3A_37 : vector<16xi1>
      %and3A_422 = arith.andi %gt3A_417, %or3A_421 : vector<16xi1>
      %broadcast_in_dim3A_423 = vector.broadcast %scan3A : f32 to vector<16xf32>
      %select_n3A_424 = arith.select %and3A_422, %add3A_414, %broadcast_in_dim3A_423 : vector<16xi1>, vector<16xf32>
      %broadcast_in_dim3A_425 = arith.constant 2 : i32
      %broadcast_in_dim3A_426 = vector.broadcast %broadcast_in_dim3A_425 : i32 to vector<16xi32>
      %gt3A_427 = arith.cmpf ogt, %select_n3A_424, %select_n3A_307 : vector<16xf32>
      %eq3A_428 = arith.cmpf oeq, %select_n3A_424, %select_n3A_307 : vector<16xf32>
      %lt3A_429 = arith.cmpi slt, %broadcast_in_dim3A_426, %select_n3A_308 : vector<16xi32>
      %and3A_430 = arith.andi %eq3A_428, %lt3A_429 : vector<16xi1>
      %or3A_431 = arith.ori %gt3A_427, %and3A_430 : vector<16xi1>
      %gt3A_432 = arith.cmpf ogt, %select_n3A_424, %select_n3A_310 : vector<16xf32>
      %eq3A_433 = arith.cmpf oeq, %select_n3A_424, %select_n3A_310 : vector<16xf32>
      %lt3A_434 = arith.cmpi slt, %broadcast_in_dim3A_426, %select_n3A_312 : vector<16xi32>
      %and3A_435 = arith.andi %eq3A_433, %lt3A_434 : vector<16xi1>
      %or3A_436 = arith.ori %gt3A_432, %and3A_435 : vector<16xi1>
      %gt3A_437 = arith.cmpf ogt, %select_n3A_424, %select_n3A_314 : vector<16xf32>
      %eq3A_438 = arith.cmpf oeq, %select_n3A_424, %select_n3A_314 : vector<16xf32>
      %lt3A_439 = arith.cmpi slt, %broadcast_in_dim3A_426, %select_n3A_316 : vector<16xi32>
      %and3A_440 = arith.andi %eq3A_438, %lt3A_439 : vector<16xi1>
      %or3A_441 = arith.ori %gt3A_437, %and3A_440 : vector<16xi1>
      %gt3A_442 = arith.cmpf ogt, %select_n3A_424, %select_n3A_318 : vector<16xf32>
      %eq3A_443 = arith.cmpf oeq, %select_n3A_424, %select_n3A_318 : vector<16xf32>
      %lt3A_444 = arith.cmpi slt, %broadcast_in_dim3A_426, %select_n3A_320 : vector<16xi32>
      %and3A_445 = arith.andi %eq3A_443, %lt3A_444 : vector<16xi1>
      %or3A_446 = arith.ori %gt3A_442, %and3A_445 : vector<16xi1>
      %gt3A_447 = arith.cmpf ogt, %select_n3A_424, %select_n3A_322 : vector<16xf32>
      %eq3A_448 = arith.cmpf oeq, %select_n3A_424, %select_n3A_322 : vector<16xf32>
      %lt3A_449 = arith.cmpi slt, %broadcast_in_dim3A_426, %select_n3A_324 : vector<16xi32>
      %and3A_450 = arith.andi %eq3A_448, %lt3A_449 : vector<16xi1>
      %or3A_451 = arith.ori %gt3A_447, %and3A_450 : vector<16xi1>
      %gt3A_452 = arith.cmpf ogt, %select_n3A_424, %select_n3A_326 : vector<16xf32>
      %eq3A_453 = arith.cmpf oeq, %select_n3A_424, %select_n3A_326 : vector<16xf32>
      %lt3A_454 = arith.cmpi slt, %broadcast_in_dim3A_426, %select_n3A_328 : vector<16xi32>
      %and3A_455 = arith.andi %eq3A_453, %lt3A_454 : vector<16xi1>
      %or3A_456 = arith.ori %gt3A_452, %and3A_455 : vector<16xi1>
      %select_n3A_457 = arith.select %or3A_431, %select_n3A_424, %select_n3A_307 : vector<16xi1>, vector<16xf32>
      %select_n3A_458 = arith.select %or3A_431, %broadcast_in_dim3A_426, %select_n3A_308 : vector<16xi1>, vector<16xi32>
      %select_n3A_459 = arith.select %or3A_431, %select_n3A_307, %select_n3A_424 : vector<16xi1>, vector<16xf32>
      %select_n3A_460 = arith.select %or3A_436, %select_n3A_459, %select_n3A_310 : vector<16xi1>, vector<16xf32>
      %select_n3A_461 = arith.select %or3A_431, %select_n3A_308, %broadcast_in_dim3A_426 : vector<16xi1>, vector<16xi32>
      %select_n3A_462 = arith.select %or3A_436, %select_n3A_461, %select_n3A_312 : vector<16xi1>, vector<16xi32>
      %select_n3A_463 = arith.select %or3A_436, %select_n3A_310, %select_n3A_424 : vector<16xi1>, vector<16xf32>
      %select_n3A_464 = arith.select %or3A_441, %select_n3A_463, %select_n3A_314 : vector<16xi1>, vector<16xf32>
      %select_n3A_465 = arith.select %or3A_436, %select_n3A_312, %broadcast_in_dim3A_426 : vector<16xi1>, vector<16xi32>
      %select_n3A_466 = arith.select %or3A_441, %select_n3A_465, %select_n3A_316 : vector<16xi1>, vector<16xi32>
      %select_n3A_467 = arith.select %or3A_441, %select_n3A_314, %select_n3A_424 : vector<16xi1>, vector<16xf32>
      %select_n3A_468 = arith.select %or3A_446, %select_n3A_467, %select_n3A_318 : vector<16xi1>, vector<16xf32>
      %select_n3A_469 = arith.select %or3A_441, %select_n3A_316, %broadcast_in_dim3A_426 : vector<16xi1>, vector<16xi32>
      %select_n3A_470 = arith.select %or3A_446, %select_n3A_469, %select_n3A_320 : vector<16xi1>, vector<16xi32>
      %select_n3A_471 = arith.select %or3A_446, %select_n3A_318, %select_n3A_424 : vector<16xi1>, vector<16xf32>
      %select_n3A_472 = arith.select %or3A_451, %select_n3A_471, %select_n3A_322 : vector<16xi1>, vector<16xf32>
      %select_n3A_473 = arith.select %or3A_446, %select_n3A_320, %broadcast_in_dim3A_426 : vector<16xi1>, vector<16xi32>
      %select_n3A_474 = arith.select %or3A_451, %select_n3A_473, %select_n3A_324 : vector<16xi1>, vector<16xi32>
      %select_n3A_475 = arith.select %or3A_451, %select_n3A_322, %select_n3A_424 : vector<16xi1>, vector<16xf32>
      %select_n3A_476 = arith.select %or3A_456, %select_n3A_475, %select_n3A_326 : vector<16xi1>, vector<16xf32>
      %select_n3A_477 = arith.select %or3A_451, %select_n3A_324, %broadcast_in_dim3A_426 : vector<16xi1>, vector<16xi32>
      %select_n3A_478 = arith.select %or3A_456, %select_n3A_477, %select_n3A_328 : vector<16xi1>, vector<16xi32>
      %get3A_479 = arith.constant 3 : i32
      %get3A_480 = arith.index_cast %get3A_479 : i32 to index
      %get3A_481 = arith.index_cast %mul3A_13 : i32 to index
      %get3A_482 = tpu.vector_load %arg11[%get3A_480, %get3A_481] {strides = array<i32>} : memref<128x128xf32, #tpu.memory_space<vmem>>, vector<16xf32>,
      %get3A_483 = arith.constant 3 : i32
      %get3A_484 = arith.index_cast %get3A_483 : i32 to index
      %get3A_485 = arith.index_cast %mul3A_13 : i32 to index
      %get3A_486 = tpu.vector_load %arg12[%get3A_484, %get3A_485] {strides = array<i32>} : memref<128x128xf32, #tpu.memory_space<vmem>>, vector<16xf32>,
      %get3A_487 = arith.constant 3 : i32
      %get3A_488 = arith.index_cast %get3A_487 : i32 to index
      %get3A_489 = arith.index_cast %mul3A_13 : i32 to index
      %get3A_490 = tpu.vector_load %arg13[%get3A_488, %get3A_489] {strides = array<i32>} : memref<128x128xf32, #tpu.memory_space<vmem>>, vector<16xf32>,
      %get3A_491 = arith.constant 3 : i32
      %get3A_492 = arith.index_cast %get3A_491 : i32 to index
      %get3A_493 = arith.index_cast %mul3A_13 : i32 to index
      %get3A_494 = tpu.vector_load %arg14[%get3A_492, %get3A_493] {strides = array<i32>} : memref<128x128xf32, #tpu.memory_space<vmem>>, vector<16xf32>,
      %get3A_495 = arith.constant 3 : i32
      %get3A_496 = arith.index_cast %get3A_495 : i32 to index
      %get3A_497 = arith.index_cast %mul3A_13 : i32 to index
      %get3A_498 = tpu.vector_load %arg15[%get3A_496, %get3A_497] {strides = array<i32>} : memref<128x128xf32, #tpu.memory_space<vmem>>, vector<16xf32>,
      %get3A_499 = arith.constant 3 : i32
      %get3A_500 = arith.index_cast %get3A_499 : i32 to index
      %get3A_501 = arith.index_cast %mul3A_13 : i32 to index
      %get3A_502 = tpu.vector_load %arg16[%get3A_500, %get3A_501] {strides = array<i32>} : memref<128x128xf32, #tpu.memory_space<vmem>>, vector<16xf32>,
      %sub3A_503 = arith.subf %get3A_494, %get3A_28 : vector<16xf32>
      %abs3A_504 = math.absf %sub3A_503 : vector<16xf32>
      %lt3A_505 = arith.constant 5.000000e-01 : f32
      %lt3A_506 = vector.broadcast %lt3A_505 : f32 to vector<16xf32>
      %lt3A_507 = arith.cmpf olt, %abs3A_504, %lt3A_506 : vector<16xf32>
      %jit3A_508 = arith.constant 2.000000e-01 : f32
      %jit3A_509 = arith.constant 0.000000e+00 : f32
      %broadcast_in_dim3A_510 = vector.broadcast %jit3A_508 : f32 to vector<16xf32>
      %broadcast_in_dim3A_511 = vector.broadcast %jit3A_509 : f32 to vector<16xf32>
      %select_n3A_512 = arith.select %lt3A_507, %broadcast_in_dim3A_510, %broadcast_in_dim3A_511 : vector<16xi1>, vector<16xf32>
      %sub3A_513 = arith.constant 1.000000e+00 : f32
      %sub3A_514 = vector.broadcast %sub3A_513 : f32 to vector<16xf32>
      %sub3A_515 = arith.subf %abs3A_504, %sub3A_514 : vector<16xf32>
      %abs3A_516 = math.absf %sub3A_515 : vector<16xf32>
      %lt3A_517 = arith.constant 5.000000e-01 : f32
      %lt3A_518 = vector.broadcast %lt3A_517 : f32 to vector<16xf32>
      %lt3A_519 = arith.cmpf olt, %abs3A_516, %lt3A_518 : vector<16xf32>
      %jit3A_520 = arith.constant 1.000000e-01 : f32
      %jit3A_521 = arith.constant 0.000000e+00 : f32
      %broadcast_in_dim3A_522 = vector.broadcast %jit3A_520 : f32 to vector<16xf32>
      %broadcast_in_dim3A_523 = vector.broadcast %jit3A_521 : f32 to vector<16xf32>
      %select_n3A_524 = arith.select %lt3A_519, %broadcast_in_dim3A_522, %broadcast_in_dim3A_523 : vector<16xi1>, vector<16xf32>
      %add3A_525 = arith.addf %select_n3A_512, %select_n3A_524 : vector<16xf32>
      %sub3A_526 = arith.subf %get3A_482, %get3A_16 : vector<16xf32>
      %abs3A_527 = math.absf %sub3A_526 : vector<16xf32>
      %sub3A_528 = arith.subf %get3A_486, %get3A_20 : vector<16xf32>
      %abs3A_529 = math.absf %sub3A_528 : vector<16xf32>
      %sub3A_530 = arith.subf %get3A_24, %get3A_490 : vector<16xf32>
      %max3A_531 = arith.constant 0.000000e+00 : f32
      %max3A_532 = vector.broadcast %max3A_531 : f32 to vector<16xf32>
      %max3A_533 = arith.maximumf %sub3A_530, %max3A_532 : vector<16xf32>
      %add3A_534 = arith.constant 1.000000e+00 : f32
      %add3A_535 = vector.broadcast %add3A_534 : f32 to vector<16xf32>
      %add3A_536 = arith.addf %abs3A_529, %add3A_535 : vector<16xf32>
      %div3A_537 = arith.constant 1.250000e+00 : f32
      %div3A_538 = vector.broadcast %div3A_537 : f32 to vector<16xf32>
      %div3A_539 = arith.divf %div3A_538, %add3A_536 : vector<16xf32>
      %add3A_540 = arith.constant 1.000000e+00 : f32
      %add3A_541 = vector.broadcast %add3A_540 : f32 to vector<16xf32>
      %add3A_542 = arith.addf %get3A_498, %add3A_541 : vector<16xf32>
      %div3A_543 = arith.constant 7.500000e-01 : f32
      %div3A_544 = vector.broadcast %div3A_543 : f32 to vector<16xf32>
      %div3A_545 = arith.divf %div3A_544, %add3A_542 : vector<16xf32>
      %add3A_546 = arith.addf %div3A_539, %div3A_545 : vector<16xf32>
      %mul3A_547 = arith.constant 1.000000e-01 : f32
      %mul3A_548 = vector.broadcast %mul3A_547 : f32 to vector<16xf32>
      %mul3A_549 = arith.mulf %max3A_533, %mul3A_548 : vector<16xf32>
      %min3A_550 = arith.constant 2.000000e+00 : f32
      %min3A_551 = vector.broadcast %min3A_550 : f32 to vector<16xf32>
      %min3A_552 = arith.minimumf %mul3A_549, %min3A_551 : vector<16xf32>
      %mul3A_553 = arith.constant 2.500000e-01 : f32
      %mul3A_554 = vector.broadcast %mul3A_553 : f32 to vector<16xf32>
      %mul3A_555 = arith.mulf %mul3A_554, %min3A_552 : vector<16xf32>
      %add3A_556 = arith.addf %add3A_546, %mul3A_555 : vector<16xf32>
      %add3A_557 = arith.addf %add3A_556, %add3A_525 : vector<16xf32>
      %add3A_558 = arith.constant 1.000000e+00 : f32
      %add3A_559 = vector.broadcast %add3A_558 : f32 to vector<16xf32>
      %add3A_560 = arith.addf %abs3A_527, %add3A_559 : vector<16xf32>
      %div3A_561 = arith.constant 1.500000e-01 : f32
      %div3A_562 = vector.broadcast %div3A_561 : f32 to vector<16xf32>
      %div3A_563 = arith.divf %div3A_562, %add3A_560 : vector<16xf32>
      %add3A_564 = arith.addf %add3A_557, %div3A_563 : vector<16xf32>
      %gt3A_565 = arith.constant 5.000000e-01 : f32
      %gt3A_566 = vector.broadcast %gt3A_565 : f32 to vector<16xf32>
      %gt3A_567 = arith.cmpf ogt, %get3A_502, %gt3A_566 : vector<16xf32>
      %le3A_568 = arith.constant 1.200000e+02 : f32
      %le3A_569 = vector.broadcast %le3A_568 : f32 to vector<16xf32>
      %le3A_570 = arith.cmpf ole, %get3A_498, %le3A_569 : vector<16xf32>
      %or3A_571 = arith.ori %le3A_570, %lt3A_37 : vector<16xi1>
      %and3A_572 = arith.andi %gt3A_567, %or3A_571 : vector<16xi1>
      %broadcast_in_dim3A_573 = vector.broadcast %scan3A : f32 to vector<16xf32>
      %select_n3A_574 = arith.select %and3A_572, %add3A_564, %broadcast_in_dim3A_573 : vector<16xi1>, vector<16xf32>
      %broadcast_in_dim3A_575 = arith.constant 3 : i32
      %broadcast_in_dim3A_576 = vector.broadcast %broadcast_in_dim3A_575 : i32 to vector<16xi32>
      %gt3A_577 = arith.cmpf ogt, %select_n3A_574, %select_n3A_457 : vector<16xf32>
      %eq3A_578 = arith.cmpf oeq, %select_n3A_574, %select_n3A_457 : vector<16xf32>
      %lt3A_579 = arith.cmpi slt, %broadcast_in_dim3A_576, %select_n3A_458 : vector<16xi32>
      %and3A_580 = arith.andi %eq3A_578, %lt3A_579 : vector<16xi1>
      %or3A_581 = arith.ori %gt3A_577, %and3A_580 : vector<16xi1>
      %gt3A_582 = arith.cmpf ogt, %select_n3A_574, %select_n3A_460 : vector<16xf32>
      %eq3A_583 = arith.cmpf oeq, %select_n3A_574, %select_n3A_460 : vector<16xf32>
      %lt3A_584 = arith.cmpi slt, %broadcast_in_dim3A_576, %select_n3A_462 : vector<16xi32>
      %and3A_585 = arith.andi %eq3A_583, %lt3A_584 : vector<16xi1>
      %or3A_586 = arith.ori %gt3A_582, %and3A_585 : vector<16xi1>
      %gt3A_587 = arith.cmpf ogt, %select_n3A_574, %select_n3A_464 : vector<16xf32>
      %eq3A_588 = arith.cmpf oeq, %select_n3A_574, %select_n3A_464 : vector<16xf32>
      %lt3A_589 = arith.cmpi slt, %broadcast_in_dim3A_576, %select_n3A_466 : vector<16xi32>
      %and3A_590 = arith.andi %eq3A_588, %lt3A_589 : vector<16xi1>
      %or3A_591 = arith.ori %gt3A_587, %and3A_590 : vector<16xi1>
      %gt3A_592 = arith.cmpf ogt, %select_n3A_574, %select_n3A_468 : vector<16xf32>
      %eq3A_593 = arith.cmpf oeq, %select_n3A_574, %select_n3A_468 : vector<16xf32>
      %lt3A_594 = arith.cmpi slt, %broadcast_in_dim3A_576, %select_n3A_470 : vector<16xi32>
      %and3A_595 = arith.andi %eq3A_593, %lt3A_594 : vector<16xi1>
      %or3A_596 = arith.ori %gt3A_592, %and3A_595 : vector<16xi1>
      %gt3A_597 = arith.cmpf ogt, %select_n3A_574, %select_n3A_472 : vector<16xf32>
      %eq3A_598 = arith.cmpf oeq, %select_n3A_574, %select_n3A_472 : vector<16xf32>
      %lt3A_599 = arith.cmpi slt, %broadcast_in_dim3A_576, %select_n3A_474 : vector<16xi32>
      %and3A_600 = arith.andi %eq3A_598, %lt3A_599 : vector<16xi1>
      %or3A_601 = arith.ori %gt3A_597, %and3A_600 : vector<16xi1>
      %gt3A_602 = arith.cmpf ogt, %select_n3A_574, %select_n3A_476 : vector<16xf32>
      %eq3A_603 = arith.cmpf oeq, %select_n3A_574, %select_n3A_476 : vector<16xf32>
      %lt3A_604 = arith.cmpi slt, %broadcast_in_dim3A_576, %select_n3A_478 : vector<16xi32>
      %and3A_605 = arith.andi %eq3A_603, %lt3A_604 : vector<16xi1>
      %or3A_606 = arith.ori %gt3A_602, %and3A_605 : vector<16xi1>
      %select_n3A_607 = arith.select %or3A_581, %select_n3A_574, %select_n3A_457 : vector<16xi1>, vector<16xf32>
      %select_n3A_608 = arith.select %or3A_581, %broadcast_in_dim3A_576, %select_n3A_458 : vector<16xi1>, vector<16xi32>
      %select_n3A_609 = arith.select %or3A_581, %select_n3A_457, %select_n3A_574 : vector<16xi1>, vector<16xf32>
      %select_n3A_610 = arith.select %or3A_586, %select_n3A_609, %select_n3A_460 : vector<16xi1>, vector<16xf32>
      %select_n3A_611 = arith.select %or3A_581, %select_n3A_458, %broadcast_in_dim3A_576 : vector<16xi1>, vector<16xi32>
      %select_n3A_612 = arith.select %or3A_586, %select_n3A_611, %select_n3A_462 : vector<16xi1>, vector<16xi32>
      %select_n3A_613 = arith.select %or3A_586, %select_n3A_460, %select_n3A_574 : vector<16xi1>, vector<16xf32>
      %select_n3A_614 = arith.select %or3A_591, %select_n3A_613, %select_n3A_464 : vector<16xi1>, vector<16xf32>
      %select_n3A_615 = arith.select %or3A_586, %select_n3A_462, %broadcast_in_dim3A_576 : vector<16xi1>, vector<16xi32>
      %select_n3A_616 = arith.select %or3A_591, %select_n3A_615, %select_n3A_466 : vector<16xi1>, vector<16xi32>
      %select_n3A_617 = arith.select %or3A_591, %select_n3A_464, %select_n3A_574 : vector<16xi1>, vector<16xf32>
      %select_n3A_618 = arith.select %or3A_596, %select_n3A_617, %select_n3A_468 : vector<16xi1>, vector<16xf32>
      %select_n3A_619 = arith.select %or3A_591, %select_n3A_466, %broadcast_in_dim3A_576 : vector<16xi1>, vector<16xi32>
      %select_n3A_620 = arith.select %or3A_596, %select_n3A_619, %select_n3A_470 : vector<16xi1>, vector<16xi32>
      %select_n3A_621 = arith.select %or3A_596, %select_n3A_468, %select_n3A_574 : vector<16xi1>, vector<16xf32>
      %select_n3A_622 = arith.select %or3A_601, %select_n3A_621, %select_n3A_472 : vector<16xi1>, vector<16xf32>
      %select_n3A_623 = arith.select %or3A_596, %select_n3A_470, %broadcast_in_dim3A_576 : vector<16xi1>, vector<16xi32>
      %select_n3A_624 = arith.select %or3A_601, %select_n3A_623, %select_n3A_474 : vector<16xi1>, vector<16xi32>
      %select_n3A_625 = arith.select %or3A_601, %select_n3A_472, %select_n3A_574 : vector<16xi1>, vector<16xf32>
      %select_n3A_626 = arith.select %or3A_606, %select_n3A_625, %select_n3A_476 : vector<16xi1>, vector<16xf32>
      %select_n3A_627 = arith.select %or3A_601, %select_n3A_474, %broadcast_in_dim3A_576 : vector<16xi1>, vector<16xi32>
      %select_n3A_628 = arith.select %or3A_606, %select_n3A_627, %select_n3A_478 : vector<16xi1>, vector<16xi32>
      %get3A_629 = arith.constant 4 : i32
      %get3A_630 = arith.index_cast %get3A_629 : i32 to index
      %get3A_631 = arith.index_cast %mul3A_13 : i32 to index
      %get3A_632 = tpu.vector_load %arg11[%get3A_630, %get3A_631] {strides = array<i32>} : memref<128x128xf32, #tpu.memory_space<vmem>>, vector<16xf32>,
      %get3A_633 = arith.constant 4 : i32
      %get3A_634 = arith.index_cast %get3A_633 : i32 to index
      %get3A_635 = arith.index_cast %mul3A_13 : i32 to index
      %get3A_636 = tpu.vector_load %arg12[%get3A_634, %get3A_635] {strides = array<i32>} : memref<128x128xf32, #tpu.memory_space<vmem>>, vector<16xf32>,
      %get3A_637 = arith.constant 4 : i32
      %get3A_638 = arith.index_cast %get3A_637 : i32 to index
      %get3A_639 = arith.index_cast %mul3A_13 : i32 to index
      %get3A_640 = tpu.vector_load %arg13[%get3A_638, %get3A_639] {strides = array<i32>} : memref<128x128xf32, #tpu.memory_space<vmem>>, vector<16xf32>,
      %get3A_641 = arith.constant 4 : i32
      %get3A_642 = arith.index_cast %get3A_641 : i32 to index
      %get3A_643 = arith.index_cast %mul3A_13 : i32 to index
      %get3A_644 = tpu.vector_load %arg14[%get3A_642, %get3A_643] {strides = array<i32>} : memref<128x128xf32, #tpu.memory_space<vmem>>, vector<16xf32>,
      %get3A_645 = arith.constant 4 : i32
      %get3A_646 = arith.index_cast %get3A_645 : i32 to index
      %get3A_647 = arith.index_cast %mul3A_13 : i32 to index
      %get3A_648 = tpu.vector_load %arg15[%get3A_646, %get3A_647] {strides = array<i32>} : memref<128x128xf32, #tpu.memory_space<vmem>>, vector<16xf32>,
      %get3A_649 = arith.constant 4 : i32
      %get3A_650 = arith.index_cast %get3A_649 : i32 to index
      %get3A_651 = arith.index_cast %mul3A_13 : i32 to index
      %get3A_652 = tpu.vector_load %arg16[%get3A_650, %get3A_651] {strides = array<i32>} : memref<128x128xf32, #tpu.memory_space<vmem>>, vector<16xf32>,
      %sub3A_653 = arith.subf %get3A_644, %get3A_28 : vector<16xf32>
      %abs3A_654 = math.absf %sub3A_653 : vector<16xf32>
      %lt3A_655 = arith.constant 5.000000e-01 : f32
      %lt3A_656 = vector.broadcast %lt3A_655 : f32 to vector<16xf32>
      %lt3A_657 = arith.cmpf olt, %abs3A_654, %lt3A_656 : vector<16xf32>
      %jit3A_658 = arith.constant 2.000000e-01 : f32
      %jit3A_659 = arith.constant 0.000000e+00 : f32
      %broadcast_in_dim3A_660 = vector.broadcast %jit3A_658 : f32 to vector<16xf32>
      %broadcast_in_dim3A_661 = vector.broadcast %jit3A_659 : f32 to vector<16xf32>
      %select_n3A_662 = arith.select %lt3A_657, %broadcast_in_dim3A_660, %broadcast_in_dim3A_661 : vector<16xi1>, vector<16xf32>
      %sub3A_663 = arith.constant 1.000000e+00 : f32
      %sub3A_664 = vector.broadcast %sub3A_663 : f32 to vector<16xf32>
      %sub3A_665 = arith.subf %abs3A_654, %sub3A_664 : vector<16xf32>
      %abs3A_666 = math.absf %sub3A_665 : vector<16xf32>
      %lt3A_667 = arith.constant 5.000000e-01 : f32
      %lt3A_668 = vector.broadcast %lt3A_667 : f32 to vector<16xf32>
      %lt3A_669 = arith.cmpf olt, %abs3A_666, %lt3A_668 : vector<16xf32>
      %jit3A_670 = arith.constant 1.000000e-01 : f32
      %jit3A_671 = arith.constant 0.000000e+00 : f32
      %broadcast_in_dim3A_672 = vector.broadcast %jit3A_670 : f32 to vector<16xf32>
      %broadcast_in_dim3A_673 = vector.broadcast %jit3A_671 : f32 to vector<16xf32>
      %select_n3A_674 = arith.select %lt3A_669, %broadcast_in_dim3A_672, %broadcast_in_dim3A_673 : vector<16xi1>, vector<16xf32>
      %add3A_675 = arith.addf %select_n3A_662, %select_n3A_674 : vector<16xf32>
      %sub3A_676 = arith.subf %get3A_632, %get3A_16 : vector<16xf32>
      %abs3A_677 = math.absf %sub3A_676 : vector<16xf32>
      %sub3A_678 = arith.subf %get3A_636, %get3A_20 : vector<16xf32>
      %abs3A_679 = math.absf %sub3A_678 : vector<16xf32>
      %sub3A_680 = arith.subf %get3A_24, %get3A_640 : vector<16xf32>
      %max3A_681 = arith.constant 0.000000e+00 : f32
      %max3A_682 = vector.broadcast %max3A_681 : f32 to vector<16xf32>
      %max3A_683 = arith.maximumf %sub3A_680, %max3A_682 : vector<16xf32>
      %add3A_684 = arith.constant 1.000000e+00 : f32
      %add3A_685 = vector.broadcast %add3A_684 : f32 to vector<16xf32>
      %add3A_686 = arith.addf %abs3A_679, %add3A_685 : vector<16xf32>
      %div3A_687 = arith.constant 1.250000e+00 : f32
      %div3A_688 = vector.broadcast %div3A_687 : f32 to vector<16xf32>
      %div3A_689 = arith.divf %div3A_688, %add3A_686 : vector<16xf32>
      %add3A_690 = arith.constant 1.000000e+00 : f32
      %add3A_691 = vector.broadcast %add3A_690 : f32 to vector<16xf32>
      %add3A_692 = arith.addf %get3A_648, %add3A_691 : vector<16xf32>
      %div3A_693 = arith.constant 7.500000e-01 : f32
      %div3A_694 = vector.broadcast %div3A_693 : f32 to vector<16xf32>
      %div3A_695 = arith.divf %div3A_694, %add3A_692 : vector<16xf32>
      %add3A_696 = arith.addf %div3A_689, %div3A_695 : vector<16xf32>
      %mul3A_697 = arith.constant 1.000000e-01 : f32
      %mul3A_698 = vector.broadcast %mul3A_697 : f32 to vector<16xf32>
      %mul3A_699 = arith.mulf %max3A_683, %mul3A_698 : vector<16xf32>
      %min3A_700 = arith.constant 2.000000e+00 : f32
      %min3A_701 = vector.broadcast %min3A_700 : f32 to vector<16xf32>
      %min3A_702 = arith.minimumf %mul3A_699, %min3A_701 : vector<16xf32>
      %mul3A_703 = arith.constant 2.500000e-01 : f32
      %mul3A_704 = vector.broadcast %mul3A_703 : f32 to vector<16xf32>
      %mul3A_705 = arith.mulf %mul3A_704, %min3A_702 : vector<16xf32>
      %add3A_706 = arith.addf %add3A_696, %mul3A_705 : vector<16xf32>
      %add3A_707 = arith.addf %add3A_706, %add3A_675 : vector<16xf32>
      %add3A_708 = arith.constant 1.000000e+00 : f32
      %add3A_709 = vector.broadcast %add3A_708 : f32 to vector<16xf32>
      %add3A_710 = arith.addf %abs3A_677, %add3A_709 : vector<16xf32>
      %div3A_711 = arith.constant 1.500000e-01 : f32
      %div3A_712 = vector.broadcast %div3A_711 : f32 to vector<16xf32>
      %div3A_713 = arith.divf %div3A_712, %add3A_710 : vector<16xf32>
      %add3A_714 = arith.addf %add3A_707, %div3A_713 : vector<16xf32>
      %gt3A_715 = arith.constant 5.000000e-01 : f32
      %gt3A_716 = vector.broadcast %gt3A_715 : f32 to vector<16xf32>
      %gt3A_717 = arith.cmpf ogt, %get3A_652, %gt3A_716 : vector<16xf32>
      %le3A_718 = arith.constant 1.200000e+02 : f32
      %le3A_719 = vector.broadcast %le3A_718 : f32 to vector<16xf32>
      %le3A_720 = arith.cmpf ole, %get3A_648, %le3A_719 : vector<16xf32>
      %or3A_721 = arith.ori %le3A_720, %lt3A_37 : vector<16xi1>
      %and3A_722 = arith.andi %gt3A_717, %or3A_721 : vector<16xi1>
      %broadcast_in_dim3A_723 = vector.broadcast %scan3A : f32 to vector<16xf32>
      %select_n3A_724 = arith.select %and3A_722, %add3A_714, %broadcast_in_dim3A_723 : vector<16xi1>, vector<16xf32>
      %broadcast_in_dim3A_725 = arith.constant 4 : i32
      %broadcast_in_dim3A_726 = vector.broadcast %broadcast_in_dim3A_725 : i32 to vector<16xi32>
      %gt3A_727 = arith.cmpf ogt, %select_n3A_724, %select_n3A_607 : vector<16xf32>
      %eq3A_728 = arith.cmpf oeq, %select_n3A_724, %select_n3A_607 : vector<16xf32>
      %lt3A_729 = arith.cmpi slt, %broadcast_in_dim3A_726, %select_n3A_608 : vector<16xi32>
      %and3A_730 = arith.andi %eq3A_728, %lt3A_729 : vector<16xi1>
      %or3A_731 = arith.ori %gt3A_727, %and3A_730 : vector<16xi1>
      %gt3A_732 = arith.cmpf ogt, %select_n3A_724, %select_n3A_610 : vector<16xf32>
      %eq3A_733 = arith.cmpf oeq, %select_n3A_724, %select_n3A_610 : vector<16xf32>
      %lt3A_734 = arith.cmpi slt, %broadcast_in_dim3A_726, %select_n3A_612 : vector<16xi32>
      %and3A_735 = arith.andi %eq3A_733, %lt3A_734 : vector<16xi1>
      %or3A_736 = arith.ori %gt3A_732, %and3A_735 : vector<16xi1>
      %gt3A_737 = arith.cmpf ogt, %select_n3A_724, %select_n3A_614 : vector<16xf32>
      %eq3A_738 = arith.cmpf oeq, %select_n3A_724, %select_n3A_614 : vector<16xf32>
      %lt3A_739 = arith.cmpi slt, %broadcast_in_dim3A_726, %select_n3A_616 : vector<16xi32>
      %and3A_740 = arith.andi %eq3A_738, %lt3A_739 : vector<16xi1>
      %or3A_741 = arith.ori %gt3A_737, %and3A_740 : vector<16xi1>
      %gt3A_742 = arith.cmpf ogt, %select_n3A_724, %select_n3A_618 : vector<16xf32>
      %eq3A_743 = arith.cmpf oeq, %select_n3A_724, %select_n3A_618 : vector<16xf32>
      %lt3A_744 = arith.cmpi slt, %broadcast_in_dim3A_726, %select_n3A_620 : vector<16xi32>
      %and3A_745 = arith.andi %eq3A_743, %lt3A_744 : vector<16xi1>
      %or3A_746 = arith.ori %gt3A_742, %and3A_745 : vector<16xi1>
      %gt3A_747 = arith.cmpf ogt, %select_n3A_724, %select_n3A_622 : vector<16xf32>
      %eq3A_748 = arith.cmpf oeq, %select_n3A_724, %select_n3A_622 : vector<16xf32>
      %lt3A_749 = arith.cmpi slt, %broadcast_in_dim3A_726, %select_n3A_624 : vector<16xi32>
      %and3A_750 = arith.andi %eq3A_748, %lt3A_749 : vector<16xi1>
      %or3A_751 = arith.ori %gt3A_747, %and3A_750 : vector<16xi1>
      %gt3A_752 = arith.cmpf ogt, %select_n3A_724, %select_n3A_626 : vector<16xf32>
      %eq3A_753 = arith.cmpf oeq, %select_n3A_724, %select_n3A_626 : vector<16xf32>
      %lt3A_754 = arith.cmpi slt, %broadcast_in_dim3A_726, %select_n3A_628 : vector<16xi32>
      %and3A_755 = arith.andi %eq3A_753, %lt3A_754 : vector<16xi1>
      %or3A_756 = arith.ori %gt3A_752, %and3A_755 : vector<16xi1>
      %select_n3A_757 = arith.select %or3A_731, %select_n3A_724, %select_n3A_607 : vector<16xi1>, vector<16xf32>
      %select_n3A_758 = arith.select %or3A_731, %broadcast_in_dim3A_726, %select_n3A_608 : vector<16xi1>, vector<16xi32>
      %select_n3A_759 = arith.select %or3A_731, %select_n3A_607, %select_n3A_724 : vector<16xi1>, vector<16xf32>
      %select_n3A_760 = arith.select %or3A_736, %select_n3A_759, %select_n3A_610 : vector<16xi1>, vector<16xf32>
      %select_n3A_761 = arith.select %or3A_731, %select_n3A_608, %broadcast_in_dim3A_726 : vector<16xi1>, vector<16xi32>
      %select_n3A_762 = arith.select %or3A_736, %select_n3A_761, %select_n3A_612 : vector<16xi1>, vector<16xi32>
      %select_n3A_763 = arith.select %or3A_736, %select_n3A_610, %select_n3A_724 : vector<16xi1>, vector<16xf32>
      %select_n3A_764 = arith.select %or3A_741, %select_n3A_763, %select_n3A_614 : vector<16xi1>, vector<16xf32>
      %select_n3A_765 = arith.select %or3A_736, %select_n3A_612, %broadcast_in_dim3A_726 : vector<16xi1>, vector<16xi32>
      %select_n3A_766 = arith.select %or3A_741, %select_n3A_765, %select_n3A_616 : vector<16xi1>, vector<16xi32>
      %select_n3A_767 = arith.select %or3A_741, %select_n3A_614, %select_n3A_724 : vector<16xi1>, vector<16xf32>
      %select_n3A_768 = arith.select %or3A_746, %select_n3A_767, %select_n3A_618 : vector<16xi1>, vector<16xf32>
      %select_n3A_769 = arith.select %or3A_741, %select_n3A_616, %broadcast_in_dim3A_726 : vector<16xi1>, vector<16xi32>
      %select_n3A_770 = arith.select %or3A_746, %select_n3A_769, %select_n3A_620 : vector<16xi1>, vector<16xi32>
      %select_n3A_771 = arith.select %or3A_746, %select_n3A_618, %select_n3A_724 : vector<16xi1>, vector<16xf32>
      %select_n3A_772 = arith.select %or3A_751, %select_n3A_771, %select_n3A_622 : vector<16xi1>, vector<16xf32>
      %select_n3A_773 = arith.select %or3A_746, %select_n3A_620, %broadcast_in_dim3A_726 : vector<16xi1>, vector<16xi32>
      %select_n3A_774 = arith.select %or3A_751, %select_n3A_773, %select_n3A_624 : vector<16xi1>, vector<16xi32>
      %select_n3A_775 = arith.select %or3A_751, %select_n3A_622, %select_n3A_724 : vector<16xi1>, vector<16xf32>
      %select_n3A_776 = arith.select %or3A_756, %select_n3A_775, %select_n3A_626 : vector<16xi1>, vector<16xf32>
      %select_n3A_777 = arith.select %or3A_751, %select_n3A_624, %broadcast_in_dim3A_726 : vector<16xi1>, vector<16xi32>
      %select_n3A_778 = arith.select %or3A_756, %select_n3A_777, %select_n3A_628 : vector<16xi1>, vector<16xi32>
      %get3A_779 = arith.constant 5 : i32
      %get3A_780 = arith.index_cast %get3A_779 : i32 to index
      %get3A_781 = arith.index_cast %mul3A_13 : i32 to index
      %get3A_782 = tpu.vector_load %arg11[%get3A_780, %get3A_781] {strides = array<i32>} : memref<128x128xf32, #tpu.memory_space<vmem>>, vector<16xf32>,
      %get3A_783 = arith.constant 5 : i32
      %get3A_784 = arith.index_cast %get3A_783 : i32 to index
      %get3A_785 = arith.index_cast %mul3A_13 : i32 to index
      %get3A_786 = tpu.vector_load %arg12[%get3A_784, %get3A_785] {strides = array<i32>} : memref<128x128xf32, #tpu.memory_space<vmem>>, vector<16xf32>,
      %get3A_787 = arith.constant 5 : i32
      %get3A_788 = arith.index_cast %get3A_787 : i32 to index
      %get3A_789 = arith.index_cast %mul3A_13 : i32 to index
      %get3A_790 = tpu.vector_load %arg13[%get3A_788, %get3A_789] {strides = array<i32>} : memref<128x128xf32, #tpu.memory_space<vmem>>, vector<16xf32>,
      %get3A_791 = arith.constant 5 : i32
      %get3A_792 = arith.index_cast %get3A_791 : i32 to index
      %get3A_793 = arith.index_cast %mul3A_13 : i32 to index
      %get3A_794 = tpu.vector_load %arg14[%get3A_792, %get3A_793] {strides = array<i32>} : memref<128x128xf32, #tpu.memory_space<vmem>>, vector<16xf32>,
      %get3A_795 = arith.constant 5 : i32
      %get3A_796 = arith.index_cast %get3A_795 : i32 to index
      %get3A_797 = arith.index_cast %mul3A_13 : i32 to index
      %get3A_798 = tpu.vector_load %arg15[%get3A_796, %get3A_797] {strides = array<i32>} : memref<128x128xf32, #tpu.memory_space<vmem>>, vector<16xf32>,
      %get3A_799 = arith.constant 5 : i32
      %get3A_800 = arith.index_cast %get3A_799 : i32 to index
      %get3A_801 = arith.index_cast %mul3A_13 : i32 to index
      %get3A_802 = tpu.vector_load %arg16[%get3A_800, %get3A_801] {strides = array<i32>} : memref<128x128xf32, #tpu.memory_space<vmem>>, vector<16xf32>,
      %sub3A_803 = arith.subf %get3A_794, %get3A_28 : vector<16xf32>
      %abs3A_804 = math.absf %sub3A_803 : vector<16xf32>
      %lt3A_805 = arith.constant 5.000000e-01 : f32
      %lt3A_806 = vector.broadcast %lt3A_805 : f32 to vector<16xf32>
      %lt3A_807 = arith.cmpf olt, %abs3A_804, %lt3A_806 : vector<16xf32>
      %jit3A_808 = arith.constant 2.000000e-01 : f32
      %jit3A_809 = arith.constant 0.000000e+00 : f32
      %broadcast_in_dim3A_810 = vector.broadcast %jit3A_808 : f32 to vector<16xf32>
      %broadcast_in_dim3A_811 = vector.broadcast %jit3A_809 : f32 to vector<16xf32>
      %select_n3A_812 = arith.select %lt3A_807, %broadcast_in_dim3A_810, %broadcast_in_dim3A_811 : vector<16xi1>, vector<16xf32>
      %sub3A_813 = arith.constant 1.000000e+00 : f32
      %sub3A_814 = vector.broadcast %sub3A_813 : f32 to vector<16xf32>
      %sub3A_815 = arith.subf %abs3A_804, %sub3A_814 : vector<16xf32>
      %abs3A_816 = math.absf %sub3A_815 : vector<16xf32>
      %lt3A_817 = arith.constant 5.000000e-01 : f32
      %lt3A_818 = vector.broadcast %lt3A_817 : f32 to vector<16xf32>
      %lt3A_819 = arith.cmpf olt, %abs3A_816, %lt3A_818 : vector<16xf32>
      %jit3A_820 = arith.constant 1.000000e-01 : f32
      %jit3A_821 = arith.constant 0.000000e+00 : f32
      %broadcast_in_dim3A_822 = vector.broadcast %jit3A_820 : f32 to vector<16xf32>
      %broadcast_in_dim3A_823 = vector.broadcast %jit3A_821 : f32 to vector<16xf32>
      %select_n3A_824 = arith.select %lt3A_819, %broadcast_in_dim3A_822, %broadcast_in_dim3A_823 : vector<16xi1>, vector<16xf32>
      %add3A_825 = arith.addf %select_n3A_812, %select_n3A_824 : vector<16xf32>
      %sub3A_826 = arith.subf %get3A_782, %get3A_16 : vector<16xf32>
      %abs3A_827 = math.absf %sub3A_826 : vector<16xf32>
      %sub3A_828 = arith.subf %get3A_786, %get3A_20 : vector<16xf32>
      %abs3A_829 = math.absf %sub3A_828 : vector<16xf32>
      %sub3A_830 = arith.subf %get3A_24, %get3A_790 : vector<16xf32>
      %max3A_831 = arith.constant 0.000000e+00 : f32
      %max3A_832 = vector.broadcast %max3A_831 : f32 to vector<16xf32>
      %max3A_833 = arith.maximumf %sub3A_830, %max3A_832 : vector<16xf32>
      %add3A_834 = arith.constant 1.000000e+00 : f32
      %add3A_835 = vector.broadcast %add3A_834 : f32 to vector<16xf32>
      %add3A_836 = arith.addf %abs3A_829, %add3A_835 : vector<16xf32>
      %div3A_837 = arith.constant 1.250000e+00 : f32
      %div3A_838 = vector.broadcast %div3A_837 : f32 to vector<16xf32>
      %div3A_839 = arith.divf %div3A_838, %add3A_836 : vector<16xf32>
      %add3A_840 = arith.constant 1.000000e+00 : f32
      %add3A_841 = vector.broadcast %add3A_840 : f32 to vector<16xf32>
      %add3A_842 = arith.addf %get3A_798, %add3A_841 : vector<16xf32>
      %div3A_843 = arith.constant 7.500000e-01 : f32
      %div3A_844 = vector.broadcast %div3A_843 : f32 to vector<16xf32>
      %div3A_845 = arith.divf %div3A_844, %add3A_842 : vector<16xf32>
      %add3A_846 = arith.addf %div3A_839, %div3A_845 : vector<16xf32>
      %mul3A_847 = arith.constant 1.000000e-01 : f32
      %mul3A_848 = vector.broadcast %mul3A_847 : f32 to vector<16xf32>
      %mul3A_849 = arith.mulf %max3A_833, %mul3A_848 : vector<16xf32>
      %min3A_850 = arith.constant 2.000000e+00 : f32
      %min3A_851 = vector.broadcast %min3A_850 : f32 to vector<16xf32>
      %min3A_852 = arith.minimumf %mul3A_849, %min3A_851 : vector<16xf32>
      %mul3A_853 = arith.constant 2.500000e-01 : f32
      %mul3A_854 = vector.broadcast %mul3A_853 : f32 to vector<16xf32>
      %mul3A_855 = arith.mulf %mul3A_854, %min3A_852 : vector<16xf32>
      %add3A_856 = arith.addf %add3A_846, %mul3A_855 : vector<16xf32>
      %add3A_857 = arith.addf %add3A_856, %add3A_825 : vector<16xf32>
      %add3A_858 = arith.constant 1.000000e+00 : f32
      %add3A_859 = vector.broadcast %add3A_858 : f32 to vector<16xf32>
      %add3A_860 = arith.addf %abs3A_827, %add3A_859 : vector<16xf32>
      %div3A_861 = arith.constant 1.500000e-01 : f32
      %div3A_862 = vector.broadcast %div3A_861 : f32 to vector<16xf32>
      %div3A_863 = arith.divf %div3A_862, %add3A_860 : vector<16xf32>
      %add3A_864 = arith.addf %add3A_857, %div3A_863 : vector<16xf32>
      %gt3A_865 = arith.constant 5.000000e-01 : f32
      %gt3A_866 = vector.broadcast %gt3A_865 : f32 to vector<16xf32>
      %gt3A_867 = arith.cmpf ogt, %get3A_802, %gt3A_866 : vector<16xf32>
      %le3A_868 = arith.constant 1.200000e+02 : f32
      %le3A_869 = vector.broadcast %le3A_868 : f32 to vector<16xf32>
      %le3A_870 = arith.cmpf ole, %get3A_798, %le3A_869 : vector<16xf32>
      %or3A_871 = arith.ori %le3A_870, %lt3A_37 : vector<16xi1>
      %and3A_872 = arith.andi %gt3A_867, %or3A_871 : vector<16xi1>
      %broadcast_in_dim3A_873 = vector.broadcast %scan3A : f32 to vector<16xf32>
      %select_n3A_874 = arith.select %and3A_872, %add3A_864, %broadcast_in_dim3A_873 : vector<16xi1>, vector<16xf32>
      %broadcast_in_dim3A_875 = arith.constant 5 : i32
      %broadcast_in_dim3A_876 = vector.broadcast %broadcast_in_dim3A_875 : i32 to vector<16xi32>
      %gt3A_877 = arith.cmpf ogt, %select_n3A_874, %select_n3A_757 : vector<16xf32>
      %eq3A_878 = arith.cmpf oeq, %select_n3A_874, %select_n3A_757 : vector<16xf32>
      %lt3A_879 = arith.cmpi slt, %broadcast_in_dim3A_876, %select_n3A_758 : vector<16xi32>
      %and3A_880 = arith.andi %eq3A_878, %lt3A_879 : vector<16xi1>
      %or3A_881 = arith.ori %gt3A_877, %and3A_880 : vector<16xi1>
      %gt3A_882 = arith.cmpf ogt, %select_n3A_874, %select_n3A_760 : vector<16xf32>
      %eq3A_883 = arith.cmpf oeq, %select_n3A_874, %select_n3A_760 : vector<16xf32>
      %lt3A_884 = arith.cmpi slt, %broadcast_in_dim3A_876, %select_n3A_762 : vector<16xi32>
      %and3A_885 = arith.andi %eq3A_883, %lt3A_884 : vector<16xi1>
      %or3A_886 = arith.ori %gt3A_882, %and3A_885 : vector<16xi1>
      %gt3A_887 = arith.cmpf ogt, %select_n3A_874, %select_n3A_764 : vector<16xf32>
      %eq3A_888 = arith.cmpf oeq, %select_n3A_874, %select_n3A_764 : vector<16xf32>
      %lt3A_889 = arith.cmpi slt, %broadcast_in_dim3A_876, %select_n3A_766 : vector<16xi32>
      %and3A_890 = arith.andi %eq3A_888, %lt3A_889 : vector<16xi1>
      %or3A_891 = arith.ori %gt3A_887, %and3A_890 : vector<16xi1>
      %gt3A_892 = arith.cmpf ogt, %select_n3A_874, %select_n3A_768 : vector<16xf32>
      %eq3A_893 = arith.cmpf oeq, %select_n3A_874, %select_n3A_768 : vector<16xf32>
      %lt3A_894 = arith.cmpi slt, %broadcast_in_dim3A_876, %select_n3A_770 : vector<16xi32>
      %and3A_895 = arith.andi %eq3A_893, %lt3A_894 : vector<16xi1>
      %or3A_896 = arith.ori %gt3A_892, %and3A_895 : vector<16xi1>
      %gt3A_897 = arith.cmpf ogt, %select_n3A_874, %select_n3A_772 : vector<16xf32>
      %eq3A_898 = arith.cmpf oeq, %select_n3A_874, %select_n3A_772 : vector<16xf32>
      %lt3A_899 = arith.cmpi slt, %broadcast_in_dim3A_876, %select_n3A_774 : vector<16xi32>
      %and3A_900 = arith.andi %eq3A_898, %lt3A_899 : vector<16xi1>
      %or3A_901 = arith.ori %gt3A_897, %and3A_900 : vector<16xi1>
      %gt3A_902 = arith.cmpf ogt, %select_n3A_874, %select_n3A_776 : vector<16xf32>
      %eq3A_903 = arith.cmpf oeq, %select_n3A_874, %select_n3A_776 : vector<16xf32>
      %lt3A_904 = arith.cmpi slt, %broadcast_in_dim3A_876, %select_n3A_778 : vector<16xi32>
      %and3A_905 = arith.andi %eq3A_903, %lt3A_904 : vector<16xi1>
      %or3A_906 = arith.ori %gt3A_902, %and3A_905 : vector<16xi1>
      %select_n3A_907 = arith.select %or3A_881, %select_n3A_874, %select_n3A_757 : vector<16xi1>, vector<16xf32>
      %select_n3A_908 = arith.select %or3A_881, %broadcast_in_dim3A_876, %select_n3A_758 : vector<16xi1>, vector<16xi32>
      %select_n3A_909 = arith.select %or3A_881, %select_n3A_757, %select_n3A_874 : vector<16xi1>, vector<16xf32>
      %select_n3A_910 = arith.select %or3A_886, %select_n3A_909, %select_n3A_760 : vector<16xi1>, vector<16xf32>
      %select_n3A_911 = arith.select %or3A_881, %select_n3A_758, %broadcast_in_dim3A_876 : vector<16xi1>, vector<16xi32>
      %select_n3A_912 = arith.select %or3A_886, %select_n3A_911, %select_n3A_762 : vector<16xi1>, vector<16xi32>
      %select_n3A_913 = arith.select %or3A_886, %select_n3A_760, %select_n3A_874 : vector<16xi1>, vector<16xf32>
      %select_n3A_914 = arith.select %or3A_891, %select_n3A_913, %select_n3A_764 : vector<16xi1>, vector<16xf32>
      %select_n3A_915 = arith.select %or3A_886, %select_n3A_762, %broadcast_in_dim3A_876 : vector<16xi1>, vector<16xi32>
      %select_n3A_916 = arith.select %or3A_891, %select_n3A_915, %select_n3A_766 : vector<16xi1>, vector<16xi32>
      %select_n3A_917 = arith.select %or3A_891, %select_n3A_764, %select_n3A_874 : vector<16xi1>, vector<16xf32>
      %select_n3A_918 = arith.select %or3A_896, %select_n3A_917, %select_n3A_768 : vector<16xi1>, vector<16xf32>
      %select_n3A_919 = arith.select %or3A_891, %select_n3A_766, %broadcast_in_dim3A_876 : vector<16xi1>, vector<16xi32>
      %select_n3A_920 = arith.select %or3A_896, %select_n3A_919, %select_n3A_770 : vector<16xi1>, vector<16xi32>
      %select_n3A_921 = arith.select %or3A_896, %select_n3A_768, %select_n3A_874 : vector<16xi1>, vector<16xf32>
      %select_n3A_922 = arith.select %or3A_901, %select_n3A_921, %select_n3A_772 : vector<16xi1>, vector<16xf32>
      %select_n3A_923 = arith.select %or3A_896, %select_n3A_770, %broadcast_in_dim3A_876 : vector<16xi1>, vector<16xi32>
      %select_n3A_924 = arith.select %or3A_901, %select_n3A_923, %select_n3A_774 : vector<16xi1>, vector<16xi32>
      %select_n3A_925 = arith.select %or3A_901, %select_n3A_772, %select_n3A_874 : vector<16xi1>, vector<16xf32>
      %select_n3A_926 = arith.select %or3A_906, %select_n3A_925, %select_n3A_776 : vector<16xi1>, vector<16xf32>
      %select_n3A_927 = arith.select %or3A_901, %select_n3A_774, %broadcast_in_dim3A_876 : vector<16xi1>, vector<16xi32>
      %select_n3A_928 = arith.select %or3A_906, %select_n3A_927, %select_n3A_778 : vector<16xi1>, vector<16xi32>
      %scan3A_929 = arith.constant 0 : i32
      %scan3A_930 = arith.constant 61 : i32
      %scan3A_931 = arith.addi %scan3A_929, %scan3A_930 : i32
      %scan3A_932 = arith.constant 1 : i32
      %scan3A_933:12 = scf.for %scan3A_983 = %scan3A_929 to %scan3A_931 step %scan3A_932 iter_args(%scan3A_984 = %select_n3A_907, %scan3A_985 = %select_n3A_910, %scan3A_986 = %select_n3A_914, %scan3A_987 = %select_n3A_918, %scan3A_988 = %select_n3A_922, %scan3A_989 = %select_n3A_926, %scan3A_990 = %select_n3A_908, %scan3A_991 = %select_n3A_912, %scan3A_992 = %select_n3A_916, %scan3A_993 = %select_n3A_920, %scan3A_994 = %select_n3A_924, %scan3A_995 = %select_n3A_928) -> (vector<16xf32>, vector<16xf32>, vector<16xf32>, vector<16xf32>, vector<16xf32>, vector<16xf32>, vector<16xi32>, vector<16xi32>, vector<16xi32>, vector<16xi32>, vector<16xi32>, vector<16xi32>)  : i32 {
        %mul3A_996 = arith.constant 2 : i32
        %mul3A_997 = arith.muli %mul3A_996, %scan3A_983 : i32
        %add3A_998 = arith.constant 6 : i32
        %add3A_999 = arith.addi %add3A_998, %mul3A_997 : i32
        %get3A_1000 = arith.index_cast %add3A_999 : i32 to index
        %get3A_1001 = arith.index_cast %mul3A_13 : i32 to index
        %get3A_1002 = tpu.vector_load %arg11[%get3A_1000, %get3A_1001] {strides = array<i32>} : memref<128x128xf32, #tpu.memory_space<vmem>>, vector<16xf32>,
        %get3A_1003 = arith.index_cast %add3A_999 : i32 to index
        %get3A_1004 = arith.index_cast %mul3A_13 : i32 to index
        %get3A_1005 = tpu.vector_load %arg12[%get3A_1003, %get3A_1004] {strides = array<i32>} : memref<128x128xf32, #tpu.memory_space<vmem>>, vector<16xf32>,
        %get3A_1006 = arith.index_cast %add3A_999 : i32 to index
        %get3A_1007 = arith.index_cast %mul3A_13 : i32 to index
        %get3A_1008 = tpu.vector_load %arg13[%get3A_1006, %get3A_1007] {strides = array<i32>} : memref<128x128xf32, #tpu.memory_space<vmem>>, vector<16xf32>,
        %get3A_1009 = arith.index_cast %add3A_999 : i32 to index
        %get3A_1010 = arith.index_cast %mul3A_13 : i32 to index
        %get3A_1011 = tpu.vector_load %arg14[%get3A_1009, %get3A_1010] {strides = array<i32>} : memref<128x128xf32, #tpu.memory_space<vmem>>, vector<16xf32>,
        %get3A_1012 = arith.index_cast %add3A_999 : i32 to index
        %get3A_1013 = arith.index_cast %mul3A_13 : i32 to index
        %get3A_1014 = tpu.vector_load %arg15[%get3A_1012, %get3A_1013] {strides = array<i32>} : memref<128x128xf32, #tpu.memory_space<vmem>>, vector<16xf32>,
        %get3A_1015 = arith.index_cast %add3A_999 : i32 to index
        %get3A_1016 = arith.index_cast %mul3A_13 : i32 to index
        %get3A_1017 = tpu.vector_load %arg16[%get3A_1015, %get3A_1016] {strides = array<i32>} : memref<128x128xf32, #tpu.memory_space<vmem>>, vector<16xf32>,
        %sub3A_1018 = arith.subf %get3A_1011, %get3A_28 : vector<16xf32>
        %abs3A_1019 = math.absf %sub3A_1018 : vector<16xf32>
        %lt3A_1020 = arith.constant 5.000000e-01 : f32
        %lt3A_1021 = vector.broadcast %lt3A_1020 : f32 to vector<16xf32>
        %lt3A_1022 = arith.cmpf olt, %abs3A_1019, %lt3A_1021 : vector<16xf32>
        %jit3A_1023 = arith.constant 2.000000e-01 : f32
        %jit3A_1024 = arith.constant 0.000000e+00 : f32
        %broadcast_in_dim3A_1025 = vector.broadcast %jit3A_1023 : f32 to vector<16xf32>
        %broadcast_in_dim3A_1026 = vector.broadcast %jit3A_1024 : f32 to vector<16xf32>
        %select_n3A_1027 = arith.select %lt3A_1022, %broadcast_in_dim3A_1025, %broadcast_in_dim3A_1026 : vector<16xi1>, vector<16xf32>
        %sub3A_1028 = arith.constant 1.000000e+00 : f32
        %sub3A_1029 = vector.broadcast %sub3A_1028 : f32 to vector<16xf32>
        %sub3A_1030 = arith.subf %abs3A_1019, %sub3A_1029 : vector<16xf32>
        %abs3A_1031 = math.absf %sub3A_1030 : vector<16xf32>
        %lt3A_1032 = arith.constant 5.000000e-01 : f32
        %lt3A_1033 = vector.broadcast %lt3A_1032 : f32 to vector<16xf32>
        %lt3A_1034 = arith.cmpf olt, %abs3A_1031, %lt3A_1033 : vector<16xf32>
        %jit3A_1035 = arith.constant 1.000000e-01 : f32
        %jit3A_1036 = arith.constant 0.000000e+00 : f32
        %broadcast_in_dim3A_1037 = vector.broadcast %jit3A_1035 : f32 to vector<16xf32>
        %broadcast_in_dim3A_1038 = vector.broadcast %jit3A_1036 : f32 to vector<16xf32>
        %select_n3A_1039 = arith.select %lt3A_1034, %broadcast_in_dim3A_1037, %broadcast_in_dim3A_1038 : vector<16xi1>, vector<16xf32>
        %add3A_1040 = arith.addf %select_n3A_1027, %select_n3A_1039 : vector<16xf32>
        %sub3A_1041 = arith.subf %get3A_1002, %get3A_16 : vector<16xf32>
        %abs3A_1042 = math.absf %sub3A_1041 : vector<16xf32>
        %sub3A_1043 = arith.subf %get3A_1005, %get3A_20 : vector<16xf32>
        %abs3A_1044 = math.absf %sub3A_1043 : vector<16xf32>
        %sub3A_1045 = arith.subf %get3A_24, %get3A_1008 : vector<16xf32>
        %max3A_1046 = arith.constant 0.000000e+00 : f32
        %max3A_1047 = vector.broadcast %max3A_1046 : f32 to vector<16xf32>
        %max3A_1048 = arith.maximumf %sub3A_1045, %max3A_1047 : vector<16xf32>
        %add3A_1049 = arith.constant 1.000000e+00 : f32
        %add3A_1050 = vector.broadcast %add3A_1049 : f32 to vector<16xf32>
        %add3A_1051 = arith.addf %abs3A_1044, %add3A_1050 : vector<16xf32>
        %div3A_1052 = arith.constant 1.250000e+00 : f32
        %div3A_1053 = vector.broadcast %div3A_1052 : f32 to vector<16xf32>
        %div3A_1054 = arith.divf %div3A_1053, %add3A_1051 : vector<16xf32>
        %add3A_1055 = arith.constant 1.000000e+00 : f32
        %add3A_1056 = vector.broadcast %add3A_1055 : f32 to vector<16xf32>
        %add3A_1057 = arith.addf %get3A_1014, %add3A_1056 : vector<16xf32>
        %div3A_1058 = arith.constant 7.500000e-01 : f32
        %div3A_1059 = vector.broadcast %div3A_1058 : f32 to vector<16xf32>
        %div3A_1060 = arith.divf %div3A_1059, %add3A_1057 : vector<16xf32>
        %add3A_1061 = arith.addf %div3A_1054, %div3A_1060 : vector<16xf32>
        %mul3A_1062 = arith.constant 1.000000e-01 : f32
        %mul3A_1063 = vector.broadcast %mul3A_1062 : f32 to vector<16xf32>
        %mul3A_1064 = arith.mulf %max3A_1048, %mul3A_1063 : vector<16xf32>
        %min3A_1065 = arith.constant 2.000000e+00 : f32
        %min3A_1066 = vector.broadcast %min3A_1065 : f32 to vector<16xf32>
        %min3A_1067 = arith.minimumf %mul3A_1064, %min3A_1066 : vector<16xf32>
        %mul3A_1068 = arith.constant 2.500000e-01 : f32
        %mul3A_1069 = vector.broadcast %mul3A_1068 : f32 to vector<16xf32>
        %mul3A_1070 = arith.mulf %mul3A_1069, %min3A_1067 : vector<16xf32>
        %add3A_1071 = arith.addf %add3A_1061, %mul3A_1070 : vector<16xf32>
        %add3A_1072 = arith.addf %add3A_1071, %add3A_1040 : vector<16xf32>
        %add3A_1073 = arith.constant 1.000000e+00 : f32
        %add3A_1074 = vector.broadcast %add3A_1073 : f32 to vector<16xf32>
        %add3A_1075 = arith.addf %abs3A_1042, %add3A_1074 : vector<16xf32>
        %div3A_1076 = arith.constant 1.500000e-01 : f32
        %div3A_1077 = vector.broadcast %div3A_1076 : f32 to vector<16xf32>
        %div3A_1078 = arith.divf %div3A_1077, %add3A_1075 : vector<16xf32>
        %add3A_1079 = arith.addf %add3A_1072, %div3A_1078 : vector<16xf32>
        %gt3A_1080 = arith.constant 5.000000e-01 : f32
        %gt3A_1081 = vector.broadcast %gt3A_1080 : f32 to vector<16xf32>
        %gt3A_1082 = arith.cmpf ogt, %get3A_1017, %gt3A_1081 : vector<16xf32>
        %le3A_1083 = arith.constant 1.200000e+02 : f32
        %le3A_1084 = vector.broadcast %le3A_1083 : f32 to vector<16xf32>
        %le3A_1085 = arith.cmpf ole, %get3A_1014, %le3A_1084 : vector<16xf32>
        %or3A_1086 = arith.ori %le3A_1085, %lt3A_37 : vector<16xi1>
        %and3A_1087 = arith.andi %gt3A_1082, %or3A_1086 : vector<16xi1>
        %broadcast_in_dim3A_1088 = vector.broadcast %scan3A : f32 to vector<16xf32>
        %select_n3A_1089 = arith.select %and3A_1087, %add3A_1079, %broadcast_in_dim3A_1088 : vector<16xi1>, vector<16xf32>
        %broadcast_in_dim3A_1090 = arith.constant 0 : i32
        %broadcast_in_dim3A_1091 = vector.broadcast %broadcast_in_dim3A_1090 : i32 to vector<16xi32>
        %add3A_1092 = vector.broadcast %add3A_999 : i32 to vector<16xi32>
        %add3A_1093 = arith.addi %broadcast_in_dim3A_1091, %add3A_1092 : vector<16xi32>
        %gt3A_1094 = arith.cmpf ogt, %select_n3A_1089, %scan3A_984 : vector<16xf32>
        %gt3A_1095 = arith.cmpf ogt, %select_n3A_1089, %scan3A_985 : vector<16xf32>
        %gt3A_1096 = arith.cmpf ogt, %select_n3A_1089, %scan3A_986 : vector<16xf32>
        %gt3A_1097 = arith.cmpf ogt, %select_n3A_1089, %scan3A_987 : vector<16xf32>
        %gt3A_1098 = arith.cmpf ogt, %select_n3A_1089, %scan3A_988 : vector<16xf32>
        %gt3A_1099 = arith.cmpf ogt, %select_n3A_1089, %scan3A_989 : vector<16xf32>
        %select_n3A_1100 = arith.select %gt3A_1094, %select_n3A_1089, %scan3A_984 : vector<16xi1>, vector<16xf32>
        %select_n3A_1101 = arith.select %gt3A_1094, %add3A_1093, %scan3A_990 : vector<16xi1>, vector<16xi32>
        %select_n3A_1102 = arith.select %gt3A_1094, %scan3A_984, %select_n3A_1089 : vector<16xi1>, vector<16xf32>
        %select_n3A_1103 = arith.select %gt3A_1095, %select_n3A_1102, %scan3A_985 : vector<16xi1>, vector<16xf32>
        %select_n3A_1104 = arith.select %gt3A_1094, %scan3A_990, %add3A_1093 : vector<16xi1>, vector<16xi32>
        %select_n3A_1105 = arith.select %gt3A_1095, %select_n3A_1104, %scan3A_991 : vector<16xi1>, vector<16xi32>
        %select_n3A_1106 = arith.select %gt3A_1095, %scan3A_985, %select_n3A_1089 : vector<16xi1>, vector<16xf32>
        %select_n3A_1107 = arith.select %gt3A_1096, %select_n3A_1106, %scan3A_986 : vector<16xi1>, vector<16xf32>
        %select_n3A_1108 = arith.select %gt3A_1095, %scan3A_991, %add3A_1093 : vector<16xi1>, vector<16xi32>
        %select_n3A_1109 = arith.select %gt3A_1096, %select_n3A_1108, %scan3A_992 : vector<16xi1>, vector<16xi32>
        %select_n3A_1110 = arith.select %gt3A_1096, %scan3A_986, %select_n3A_1089 : vector<16xi1>, vector<16xf32>
        %select_n3A_1111 = arith.select %gt3A_1097, %select_n3A_1110, %scan3A_987 : vector<16xi1>, vector<16xf32>
        %select_n3A_1112 = arith.select %gt3A_1096, %scan3A_992, %add3A_1093 : vector<16xi1>, vector<16xi32>
        %select_n3A_1113 = arith.select %gt3A_1097, %select_n3A_1112, %scan3A_993 : vector<16xi1>, vector<16xi32>
        %select_n3A_1114 = arith.select %gt3A_1097, %scan3A_987, %select_n3A_1089 : vector<16xi1>, vector<16xf32>
        %select_n3A_1115 = arith.select %gt3A_1098, %select_n3A_1114, %scan3A_988 : vector<16xi1>, vector<16xf32>
        %select_n3A_1116 = arith.select %gt3A_1097, %scan3A_993, %add3A_1093 : vector<16xi1>, vector<16xi32>
        %select_n3A_1117 = arith.select %gt3A_1098, %select_n3A_1116, %scan3A_994 : vector<16xi1>, vector<16xi32>
        %select_n3A_1118 = arith.select %gt3A_1098, %scan3A_988, %select_n3A_1089 : vector<16xi1>, vector<16xf32>
        %select_n3A_1119 = arith.select %gt3A_1099, %select_n3A_1118, %scan3A_989 : vector<16xi1>, vector<16xf32>
        %select_n3A_1120 = arith.select %gt3A_1098, %scan3A_994, %add3A_1093 : vector<16xi1>, vector<16xi32>
        %select_n3A_1121 = arith.select %gt3A_1099, %select_n3A_1120, %scan3A_995 : vector<16xi1>, vector<16xi32>
        %mul3A_1122 = arith.constant 2 : i32
        %mul3A_1123 = arith.muli %mul3A_1122, %scan3A_983 : i32
        %add3A_1124 = arith.constant 6 : i32
        %add3A_1125 = arith.addi %add3A_1124, %mul3A_1123 : i32
        %add3A_1126 = arith.constant 1 : i32
        %add3A_1127 = arith.addi %add3A_1125, %add3A_1126 : i32
        %get3A_1128 = arith.index_cast %add3A_1127 : i32 to index
        %get3A_1129 = arith.index_cast %mul3A_13 : i32 to index
        %get3A_1130 = tpu.vector_load %arg11[%get3A_1128, %get3A_1129] {strides = array<i32>} : memref<128x128xf32, #tpu.memory_space<vmem>>, vector<16xf32>,
        %get3A_1131 = arith.index_cast %add3A_1127 : i32 to index
        %get3A_1132 = arith.index_cast %mul3A_13 : i32 to index
        %get3A_1133 = tpu.vector_load %arg12[%get3A_1131, %get3A_1132] {strides = array<i32>} : memref<128x128xf32, #tpu.memory_space<vmem>>, vector<16xf32>,
        %get3A_1134 = arith.index_cast %add3A_1127 : i32 to index
        %get3A_1135 = arith.index_cast %mul3A_13 : i32 to index
        %get3A_1136 = tpu.vector_load %arg13[%get3A_1134, %get3A_1135] {strides = array<i32>} : memref<128x128xf32, #tpu.memory_space<vmem>>, vector<16xf32>,
        %get3A_1137 = arith.index_cast %add3A_1127 : i32 to index
        %get3A_1138 = arith.index_cast %mul3A_13 : i32 to index
        %get3A_1139 = tpu.vector_load %arg14[%get3A_1137, %get3A_1138] {strides = array<i32>} : memref<128x128xf32, #tpu.memory_space<vmem>>, vector<16xf32>,
        %get3A_1140 = arith.index_cast %add3A_1127 : i32 to index
        %get3A_1141 = arith.index_cast %mul3A_13 : i32 to index
        %get3A_1142 = tpu.vector_load %arg15[%get3A_1140, %get3A_1141] {strides = array<i32>} : memref<128x128xf32, #tpu.memory_space<vmem>>, vector<16xf32>,
        %get3A_1143 = arith.index_cast %add3A_1127 : i32 to index
        %get3A_1144 = arith.index_cast %mul3A_13 : i32 to index
        %get3A_1145 = tpu.vector_load %arg16[%get3A_1143, %get3A_1144] {strides = array<i32>} : memref<128x128xf32, #tpu.memory_space<vmem>>, vector<16xf32>,
        %sub3A_1146 = arith.subf %get3A_1139, %get3A_28 : vector<16xf32>
        %abs3A_1147 = math.absf %sub3A_1146 : vector<16xf32>
        %lt3A_1148 = arith.constant 5.000000e-01 : f32
        %lt3A_1149 = vector.broadcast %lt3A_1148 : f32 to vector<16xf32>
        %lt3A_1150 = arith.cmpf olt, %abs3A_1147, %lt3A_1149 : vector<16xf32>
        %jit3A_1151 = arith.constant 2.000000e-01 : f32
        %jit3A_1152 = arith.constant 0.000000e+00 : f32
        %broadcast_in_dim3A_1153 = vector.broadcast %jit3A_1151 : f32 to vector<16xf32>
        %broadcast_in_dim3A_1154 = vector.broadcast %jit3A_1152 : f32 to vector<16xf32>
        %select_n3A_1155 = arith.select %lt3A_1150, %broadcast_in_dim3A_1153, %broadcast_in_dim3A_1154 : vector<16xi1>, vector<16xf32>
        %sub3A_1156 = arith.constant 1.000000e+00 : f32
        %sub3A_1157 = vector.broadcast %sub3A_1156 : f32 to vector<16xf32>
        %sub3A_1158 = arith.subf %abs3A_1147, %sub3A_1157 : vector<16xf32>
        %abs3A_1159 = math.absf %sub3A_1158 : vector<16xf32>
        %lt3A_1160 = arith.constant 5.000000e-01 : f32
        %lt3A_1161 = vector.broadcast %lt3A_1160 : f32 to vector<16xf32>
        %lt3A_1162 = arith.cmpf olt, %abs3A_1159, %lt3A_1161 : vector<16xf32>
        %jit3A_1163 = arith.constant 1.000000e-01 : f32
        %jit3A_1164 = arith.constant 0.000000e+00 : f32
        %broadcast_in_dim3A_1165 = vector.broadcast %jit3A_1163 : f32 to vector<16xf32>
        %broadcast_in_dim3A_1166 = vector.broadcast %jit3A_1164 : f32 to vector<16xf32>
        %select_n3A_1167 = arith.select %lt3A_1162, %broadcast_in_dim3A_1165, %broadcast_in_dim3A_1166 : vector<16xi1>, vector<16xf32>
        %add3A_1168 = arith.addf %select_n3A_1155, %select_n3A_1167 : vector<16xf32>
        %sub3A_1169 = arith.subf %get3A_1130, %get3A_16 : vector<16xf32>
        %abs3A_1170 = math.absf %sub3A_1169 : vector<16xf32>
        %sub3A_1171 = arith.subf %get3A_1133, %get3A_20 : vector<16xf32>
        %abs3A_1172 = math.absf %sub3A_1171 : vector<16xf32>
        %sub3A_1173 = arith.subf %get3A_24, %get3A_1136 : vector<16xf32>
        %max3A_1174 = arith.constant 0.000000e+00 : f32
        %max3A_1175 = vector.broadcast %max3A_1174 : f32 to vector<16xf32>
        %max3A_1176 = arith.maximumf %sub3A_1173, %max3A_1175 : vector<16xf32>
        %add3A_1177 = arith.constant 1.000000e+00 : f32
        %add3A_1178 = vector.broadcast %add3A_1177 : f32 to vector<16xf32>
        %add3A_1179 = arith.addf %abs3A_1172, %add3A_1178 : vector<16xf32>
        %div3A_1180 = arith.constant 1.250000e+00 : f32
        %div3A_1181 = vector.broadcast %div3A_1180 : f32 to vector<16xf32>
        %div3A_1182 = arith.divf %div3A_1181, %add3A_1179 : vector<16xf32>
        %add3A_1183 = arith.constant 1.000000e+00 : f32
        %add3A_1184 = vector.broadcast %add3A_1183 : f32 to vector<16xf32>
        %add3A_1185 = arith.addf %get3A_1142, %add3A_1184 : vector<16xf32>
        %div3A_1186 = arith.constant 7.500000e-01 : f32
        %div3A_1187 = vector.broadcast %div3A_1186 : f32 to vector<16xf32>
        %div3A_1188 = arith.divf %div3A_1187, %add3A_1185 : vector<16xf32>
        %add3A_1189 = arith.addf %div3A_1182, %div3A_1188 : vector<16xf32>
        %mul3A_1190 = arith.constant 1.000000e-01 : f32
        %mul3A_1191 = vector.broadcast %mul3A_1190 : f32 to vector<16xf32>
        %mul3A_1192 = arith.mulf %max3A_1176, %mul3A_1191 : vector<16xf32>
        %min3A_1193 = arith.constant 2.000000e+00 : f32
        %min3A_1194 = vector.broadcast %min3A_1193 : f32 to vector<16xf32>
        %min3A_1195 = arith.minimumf %mul3A_1192, %min3A_1194 : vector<16xf32>
        %mul3A_1196 = arith.constant 2.500000e-01 : f32
        %mul3A_1197 = vector.broadcast %mul3A_1196 : f32 to vector<16xf32>
        %mul3A_1198 = arith.mulf %mul3A_1197, %min3A_1195 : vector<16xf32>
        %add3A_1199 = arith.addf %add3A_1189, %mul3A_1198 : vector<16xf32>
        %add3A_1200 = arith.addf %add3A_1199, %add3A_1168 : vector<16xf32>
        %add3A_1201 = arith.constant 1.000000e+00 : f32
        %add3A_1202 = vector.broadcast %add3A_1201 : f32 to vector<16xf32>
        %add3A_1203 = arith.addf %abs3A_1170, %add3A_1202 : vector<16xf32>
        %div3A_1204 = arith.constant 1.500000e-01 : f32
        %div3A_1205 = vector.broadcast %div3A_1204 : f32 to vector<16xf32>
        %div3A_1206 = arith.divf %div3A_1205, %add3A_1203 : vector<16xf32>
        %add3A_1207 = arith.addf %add3A_1200, %div3A_1206 : vector<16xf32>
        %gt3A_1208 = arith.constant 5.000000e-01 : f32
        %gt3A_1209 = vector.broadcast %gt3A_1208 : f32 to vector<16xf32>
        %gt3A_1210 = arith.cmpf ogt, %get3A_1145, %gt3A_1209 : vector<16xf32>
        %le3A_1211 = arith.constant 1.200000e+02 : f32
        %le3A_1212 = vector.broadcast %le3A_1211 : f32 to vector<16xf32>
        %le3A_1213 = arith.cmpf ole, %get3A_1142, %le3A_1212 : vector<16xf32>
        %or3A_1214 = arith.ori %le3A_1213, %lt3A_37 : vector<16xi1>
        %and3A_1215 = arith.andi %gt3A_1210, %or3A_1214 : vector<16xi1>
        %broadcast_in_dim3A_1216 = vector.broadcast %scan3A : f32 to vector<16xf32>
        %select_n3A_1217 = arith.select %and3A_1215, %add3A_1207, %broadcast_in_dim3A_1216 : vector<16xi1>, vector<16xf32>
        %broadcast_in_dim3A_1218 = arith.constant 0 : i32
        %broadcast_in_dim3A_1219 = vector.broadcast %broadcast_in_dim3A_1218 : i32 to vector<16xi32>
        %add3A_1220 = vector.broadcast %add3A_1127 : i32 to vector<16xi32>
        %add3A_1221 = arith.addi %broadcast_in_dim3A_1219, %add3A_1220 : vector<16xi32>
        %gt3A_1222 = arith.cmpf ogt, %select_n3A_1217, %select_n3A_1100 : vector<16xf32>
        %gt3A_1223 = arith.cmpf ogt, %select_n3A_1217, %select_n3A_1103 : vector<16xf32>
        %gt3A_1224 = arith.cmpf ogt, %select_n3A_1217, %select_n3A_1107 : vector<16xf32>
        %gt3A_1225 = arith.cmpf ogt, %select_n3A_1217, %select_n3A_1111 : vector<16xf32>
        %gt3A_1226 = arith.cmpf ogt, %select_n3A_1217, %select_n3A_1115 : vector<16xf32>
        %gt3A_1227 = arith.cmpf ogt, %select_n3A_1217, %select_n3A_1119 : vector<16xf32>
        %select_n3A_1228 = arith.select %gt3A_1222, %select_n3A_1217, %select_n3A_1100 : vector<16xi1>, vector<16xf32>
        %select_n3A_1229 = arith.select %gt3A_1222, %add3A_1221, %select_n3A_1101 : vector<16xi1>, vector<16xi32>
        %select_n3A_1230 = arith.select %gt3A_1222, %select_n3A_1100, %select_n3A_1217 : vector<16xi1>, vector<16xf32>
        %select_n3A_1231 = arith.select %gt3A_1223, %select_n3A_1230, %select_n3A_1103 : vector<16xi1>, vector<16xf32>
        %select_n3A_1232 = arith.select %gt3A_1222, %select_n3A_1101, %add3A_1221 : vector<16xi1>, vector<16xi32>
        %select_n3A_1233 = arith.select %gt3A_1223, %select_n3A_1232, %select_n3A_1105 : vector<16xi1>, vector<16xi32>
        %select_n3A_1234 = arith.select %gt3A_1223, %select_n3A_1103, %select_n3A_1217 : vector<16xi1>, vector<16xf32>
        %select_n3A_1235 = arith.select %gt3A_1224, %select_n3A_1234, %select_n3A_1107 : vector<16xi1>, vector<16xf32>
        %select_n3A_1236 = arith.select %gt3A_1223, %select_n3A_1105, %add3A_1221 : vector<16xi1>, vector<16xi32>
        %select_n3A_1237 = arith.select %gt3A_1224, %select_n3A_1236, %select_n3A_1109 : vector<16xi1>, vector<16xi32>
        %select_n3A_1238 = arith.select %gt3A_1224, %select_n3A_1107, %select_n3A_1217 : vector<16xi1>, vector<16xf32>
        %select_n3A_1239 = arith.select %gt3A_1225, %select_n3A_1238, %select_n3A_1111 : vector<16xi1>, vector<16xf32>
        %select_n3A_1240 = arith.select %gt3A_1224, %select_n3A_1109, %add3A_1221 : vector<16xi1>, vector<16xi32>
        %select_n3A_1241 = arith.select %gt3A_1225, %select_n3A_1240, %select_n3A_1113 : vector<16xi1>, vector<16xi32>
        %select_n3A_1242 = arith.select %gt3A_1225, %select_n3A_1111, %select_n3A_1217 : vector<16xi1>, vector<16xf32>
        %select_n3A_1243 = arith.select %gt3A_1226, %select_n3A_1242, %select_n3A_1115 : vector<16xi1>, vector<16xf32>
        %select_n3A_1244 = arith.select %gt3A_1225, %select_n3A_1113, %add3A_1221 : vector<16xi1>, vector<16xi32>
        %select_n3A_1245 = arith.select %gt3A_1226, %select_n3A_1244, %select_n3A_1117 : vector<16xi1>, vector<16xi32>
        %select_n3A_1246 = arith.select %gt3A_1226, %select_n3A_1115, %select_n3A_1217 : vector<16xi1>, vector<16xf32>
        %select_n3A_1247 = arith.select %gt3A_1227, %select_n3A_1246, %select_n3A_1119 : vector<16xi1>, vector<16xf32>
        %select_n3A_1248 = arith.select %gt3A_1226, %select_n3A_1117, %add3A_1221 : vector<16xi1>, vector<16xi32>
        %select_n3A_1249 = arith.select %gt3A_1227, %select_n3A_1248, %select_n3A_1121 : vector<16xi1>, vector<16xi32>
        scf.yield %select_n3A_1228, %select_n3A_1231, %select_n3A_1235, %select_n3A_1239, %select_n3A_1243, %select_n3A_1247, %select_n3A_1229, %select_n3A_1233, %select_n3A_1237, %select_n3A_1241, %select_n3A_1245, %select_n3A_1249 : vector<16xf32>, vector<16xf32>, vector<16xf32>, vector<16xf32>, vector<16xf32>, vector<16xf32>, vector<16xi32>, vector<16xi32>, vector<16xi32>, vector<16xi32>, vector<16xi32>, vector<16xi32>
      }
      %scan3A_934 = arith.constant 61 : i32
      %swap3A = arith.constant 0 : i32
      %swap3A_935 = arith.index_cast %swap3A : i32 to index
      %swap3A_936 = arith.index_cast %mul3A_13 : i32 to index
      %swap3A_937 = tpu.vector_load %arg18[%swap3A_935, %swap3A_936] {strides = array<i32>} : memref<6x128xf32, #tpu.memory_space<vmem>>, vector<16xf32>,
      tpu.vector_store %arg18[%swap3A_935, %swap3A_936], %scan3A_933#0 {strides = array<i32>} : memref<6x128xf32, #tpu.memory_space<vmem>>, vector<16xf32>,
      %swap3A_938 = arith.constant 0 : i32
      %swap3A_939 = arith.index_cast %swap3A_938 : i32 to index
      %swap3A_940 = arith.index_cast %mul3A_13 : i32 to index
      %swap3A_941 = tpu.vector_load %arg19[%swap3A_939, %swap3A_940] {strides = array<i32>} : memref<6x128xi32, #tpu.memory_space<vmem>>, vector<16xi32>,
      tpu.vector_store %arg19[%swap3A_939, %swap3A_940], %scan3A_933#6 {strides = array<i32>} : memref<6x128xi32, #tpu.memory_space<vmem>>, vector<16xi32>,
      %swap3A_942 = arith.constant 1 : i32
      %swap3A_943 = arith.index_cast %swap3A_942 : i32 to index
      %swap3A_944 = arith.index_cast %mul3A_13 : i32 to index
      %swap3A_945 = tpu.vector_load %arg18[%swap3A_943, %swap3A_944] {strides = array<i32>} : memref<6x128xf32, #tpu.memory_space<vmem>>, vector<16xf32>,
      tpu.vector_store %arg18[%swap3A_943, %swap3A_944], %scan3A_933#1 {strides = array<i32>} : memref<6x128xf32, #tpu.memory_space<vmem>>, vector<16xf32>,
      %swap3A_946 = arith.constant 1 : i32
      %swap3A_947 = arith.index_cast %swap3A_946 : i32 to index
      %swap3A_948 = arith.index_cast %mul3A_13 : i32 to index
      %swap3A_949 = tpu.vector_load %arg19[%swap3A_947, %swap3A_948] {strides = array<i32>} : memref<6x128xi32, #tpu.memory_space<vmem>>, vector<16xi32>,
      tpu.vector_store %arg19[%swap3A_947, %swap3A_948], %scan3A_933#7 {strides = array<i32>} : memref<6x128xi32, #tpu.memory_space<vmem>>, vector<16xi32>,
      %swap3A_950 = arith.constant 2 : i32
      %swap3A_951 = arith.index_cast %swap3A_950 : i32 to index
      %swap3A_952 = arith.index_cast %mul3A_13 : i32 to index
      %swap3A_953 = tpu.vector_load %arg18[%swap3A_951, %swap3A_952] {strides = array<i32>} : memref<6x128xf32, #tpu.memory_space<vmem>>, vector<16xf32>,
      tpu.vector_store %arg18[%swap3A_951, %swap3A_952], %scan3A_933#2 {strides = array<i32>} : memref<6x128xf32, #tpu.memory_space<vmem>>, vector<16xf32>,
      %swap3A_954 = arith.constant 2 : i32
      %swap3A_955 = arith.index_cast %swap3A_954 : i32 to index
      %swap3A_956 = arith.index_cast %mul3A_13 : i32 to index
      %swap3A_957 = tpu.vector_load %arg19[%swap3A_955, %swap3A_956] {strides = array<i32>} : memref<6x128xi32, #tpu.memory_space<vmem>>, vector<16xi32>,
      tpu.vector_store %arg19[%swap3A_955, %swap3A_956], %scan3A_933#8 {strides = array<i32>} : memref<6x128xi32, #tpu.memory_space<vmem>>, vector<16xi32>,
      %swap3A_958 = arith.constant 3 : i32
      %swap3A_959 = arith.index_cast %swap3A_958 : i32 to index
      %swap3A_960 = arith.index_cast %mul3A_13 : i32 to index
      %swap3A_961 = tpu.vector_load %arg18[%swap3A_959, %swap3A_960] {strides = array<i32>} : memref<6x128xf32, #tpu.memory_space<vmem>>, vector<16xf32>,
      tpu.vector_store %arg18[%swap3A_959, %swap3A_960], %scan3A_933#3 {strides = array<i32>} : memref<6x128xf32, #tpu.memory_space<vmem>>, vector<16xf32>,
      %swap3A_962 = arith.constant 3 : i32
      %swap3A_963 = arith.index_cast %swap3A_962 : i32 to index
      %swap3A_964 = arith.index_cast %mul3A_13 : i32 to index
      %swap3A_965 = tpu.vector_load %arg19[%swap3A_963, %swap3A_964] {strides = array<i32>} : memref<6x128xi32, #tpu.memory_space<vmem>>, vector<16xi32>,
      tpu.vector_store %arg19[%swap3A_963, %swap3A_964], %scan3A_933#9 {strides = array<i32>} : memref<6x128xi32, #tpu.memory_space<vmem>>, vector<16xi32>,
      %swap3A_966 = arith.constant 4 : i32
      %swap3A_967 = arith.index_cast %swap3A_966 : i32 to index
      %swap3A_968 = arith.index_cast %mul3A_13 : i32 to index
      %swap3A_969 = tpu.vector_load %arg18[%swap3A_967, %swap3A_968] {strides = array<i32>} : memref<6x128xf32, #tpu.memory_space<vmem>>, vector<16xf32>,
      tpu.vector_store %arg18[%swap3A_967, %swap3A_968], %scan3A_933#4 {strides = array<i32>} : memref<6x128xf32, #tpu.memory_space<vmem>>, vector<16xf32>,
      %swap3A_970 = arith.constant 4 : i32
      %swap3A_971 = arith.index_cast %swap3A_970 : i32 to index
      %swap3A_972 = arith.index_cast %mul3A_13 : i32 to index
      %swap3A_973 = tpu.vector_load %arg19[%swap3A_971, %swap3A_972] {strides = array<i32>} : memref<6x128xi32, #tpu.memory_space<vmem>>, vector<16xi32>,
      tpu.vector_store %arg19[%swap3A_971, %swap3A_972], %scan3A_933#10 {strides = array<i32>} : memref<6x128xi32, #tpu.memory_space<vmem>>, vector<16xi32>,
      %swap3A_974 = arith.constant 5 : i32
      %swap3A_975 = arith.index_cast %swap3A_974 : i32 to index
      %swap3A_976 = arith.index_cast %mul3A_13 : i32 to index
      %swap3A_977 = tpu.vector_load %arg18[%swap3A_975, %swap3A_976] {strides = array<i32>} : memref<6x128xf32, #tpu.memory_space<vmem>>, vector<16xf32>,
      tpu.vector_store %arg18[%swap3A_975, %swap3A_976], %scan3A_933#5 {strides = array<i32>} : memref<6x128xf32, #tpu.memory_space<vmem>>, vector<16xf32>,
      %swap3A_978 = arith.constant 5 : i32
      %swap3A_979 = arith.index_cast %swap3A_978 : i32 to index
      %swap3A_980 = arith.index_cast %mul3A_13 : i32 to index
      %swap3A_981 = tpu.vector_load %arg19[%swap3A_979, %swap3A_980] {strides = array<i32>} : memref<6x128xi32, #tpu.memory_space<vmem>>, vector<16xi32>,
      tpu.vector_store %arg19[%swap3A_979, %swap3A_980], %scan3A_933#11 {strides = array<i32>} : memref<6x128xi32, #tpu.memory_space<vmem>>, vector<16xi32>,
      %scan3A_982 = arith.constant 0 : i32
      scf.yield %scan3A_982 : i32
    }
    %scan3A_9 = arith.constant 8 : i32
    "tpu.region"() ({
      %run_scoped3A = tpu.sem_alloc : memref<!tpu.dma_semaphore, #tpu.memory_space<semaphore_mem>>
      %dma_start3A = arith.constant 0 : i32
      %dma_start3A_10 = arith.constant 0 : i32
      %dma_start3A_11 = tpu.memref_slice %arg9[%add3A, %dma_start3A, %dma_start3A_10] : memref<32x6x128xf32, #tpu.memory_space<hbm>> -> memref<1x6x128xf32, #tpu.memory_space<hbm>>
      %dma_start3A_12 = tpu.memref_squeeze %dma_start3A_11 : memref<1x6x128xf32, #tpu.memory_space<hbm>> -> memref<6x128xf32, #tpu.memory_space<hbm>>
      %dma_start3A_13 = arith.constant 0 : i32
      %dma_start3A_14 = arith.constant 0 : i32
      %dma_start3A_15 = tpu.memref_slice %arg9[%add3A, %dma_start3A_13, %dma_start3A_14] : memref<32x6x128xf32, #tpu.memory_space<hbm>> -> memref<1x6x128xf32, #tpu.memory_space<hbm>>
      %dma_start3A_16 = tpu.memref_squeeze %dma_start3A_15 : memref<1x6x128xf32, #tpu.memory_space<hbm>> -> memref<6x128xf32, #tpu.memory_space<hbm>>
      tpu.enqueue_dma source(%arg18 : memref<6x128xf32, #tpu.memory_space<vmem>>) target(%dma_start3A_16 : memref<6x128xf32, #tpu.memory_space<hbm>>) target_semaphore(%run_scoped3A : memref<!tpu.dma_semaphore, #tpu.memory_space<semaphore_mem>>)
      %dma_wait3A = arith.constant 0 : i32
      %dma_wait3A_17 = arith.constant 0 : i32
      %dma_wait3A_18 = tpu.memref_slice %arg9[%add3A, %dma_wait3A, %dma_wait3A_17] : memref<32x6x128xf32, #tpu.memory_space<hbm>> -> memref<1x6x128xf32, #tpu.memory_space<hbm>>
      %dma_wait3A_19 = tpu.memref_squeeze %dma_wait3A_18 : memref<1x6x128xf32, #tpu.memory_space<hbm>> -> memref<6x128xf32, #tpu.memory_space<hbm>>
      %dma_wait3A_20 = arith.constant 0 : i32
      %dma_wait3A_21 = arith.constant 0 : i32
      %dma_wait3A_22 = tpu.memref_slice %arg9[%add3A, %dma_wait3A_20, %dma_wait3A_21] : memref<32x6x128xf32, #tpu.memory_space<hbm>> -> memref<1x6x128xf32, #tpu.memory_space<hbm>>
      %dma_wait3A_23 = tpu.memref_squeeze %dma_wait3A_22 : memref<1x6x128xf32, #tpu.memory_space<hbm>> -> memref<6x128xf32, #tpu.memory_space<hbm>>
      tpu.wait_dma2 semaphore(%run_scoped3A : memref<!tpu.dma_semaphore, #tpu.memory_space<semaphore_mem>>) src(%arg18 : memref<6x128xf32, #tpu.memory_space<vmem>>) dst(%dma_wait3A_23 : memref<6x128xf32, #tpu.memory_space<hbm>>)
      tpu.yield
    }) : () -> ()
    "tpu.region"() ({
      %run_scoped3A = tpu.sem_alloc : memref<!tpu.dma_semaphore, #tpu.memory_space<semaphore_mem>>
      %dma_start3A = arith.constant 0 : i32
      %dma_start3A_10 = arith.constant 0 : i32
      %dma_start3A_11 = tpu.memref_slice %arg10[%add3A, %dma_start3A, %dma_start3A_10] : memref<32x6x128xi32, #tpu.memory_space<hbm>> -> memref<1x6x128xi32, #tpu.memory_space<hbm>>
      %dma_start3A_12 = tpu.memref_squeeze %dma_start3A_11 : memref<1x6x128xi32, #tpu.memory_space<hbm>> -> memref<6x128xi32, #tpu.memory_space<hbm>>
      %dma_start3A_13 = arith.constant 0 : i32
      %dma_start3A_14 = arith.constant 0 : i32
      %dma_start3A_15 = tpu.memref_slice %arg10[%add3A, %dma_start3A_13, %dma_start3A_14] : memref<32x6x128xi32, #tpu.memory_space<hbm>> -> memref<1x6x128xi32, #tpu.memory_space<hbm>>
      %dma_start3A_16 = tpu.memref_squeeze %dma_start3A_15 : memref<1x6x128xi32, #tpu.memory_space<hbm>> -> memref<6x128xi32, #tpu.memory_space<hbm>>
      tpu.enqueue_dma source(%arg19 : memref<6x128xi32, #tpu.memory_space<vmem>>) target(%dma_start3A_16 : memref<6x128xi32, #tpu.memory_space<hbm>>) target_semaphore(%run_scoped3A : memref<!tpu.dma_semaphore, #tpu.memory_space<semaphore_mem>>)
      %dma_wait3A = arith.constant 0 : i32
      %dma_wait3A_17 = arith.constant 0 : i32
      %dma_wait3A_18 = tpu.memref_slice %arg10[%add3A, %dma_wait3A, %dma_wait3A_17] : memref<32x6x128xi32, #tpu.memory_space<hbm>> -> memref<1x6x128xi32, #tpu.memory_space<hbm>>
      %dma_wait3A_19 = tpu.memref_squeeze %dma_wait3A_18 : memref<1x6x128xi32, #tpu.memory_space<hbm>> -> memref<6x128xi32, #tpu.memory_space<hbm>>
      %dma_wait3A_20 = arith.constant 0 : i32
      %dma_wait3A_21 = arith.constant 0 : i32
      %dma_wait3A_22 = tpu.memref_slice %arg10[%add3A, %dma_wait3A_20, %dma_wait3A_21] : memref<32x6x128xi32, #tpu.memory_space<hbm>> -> memref<1x6x128xi32, #tpu.memory_space<hbm>>
      %dma_wait3A_23 = tpu.memref_squeeze %dma_wait3A_22 : memref<1x6x128xi32, #tpu.memory_space<hbm>> -> memref<6x128xi32, #tpu.memory_space<hbm>>
      tpu.wait_dma2 semaphore(%run_scoped3A : memref<!tpu.dma_semaphore, #tpu.memory_space<semaphore_mem>>) src(%arg19 : memref<6x128xi32, #tpu.memory_space<vmem>>) dst(%dma_wait3A_23 : memref<6x128xi32, #tpu.memory_space<hbm>>)
      tpu.yield
    }) : () -> ()
    return
  }
}

</mosaic_0001>

<sc_bundles>
// kernel: _sc_call.3.cloned.1.call-start
scs
__scs_entry_jumppad:
0x0: {  	(pc) =	sbr.rel $0x88, $3  }
0x1: {  	(tag) =	ssettag $0x0;
	lr =	simm.s32 $0x1  }
0x2: {  	[smem:$0x3F9A] =	sst lr;
	_ =	strace $0xD0000000  }
0x3: {  	_ = 	snop  }
0x4: {  	_ = 	snop  }
0x5: {  	_ = 	snop  }
0x6: {  	_ = 	snop  }
0x7: {  	_ = 	snop  }
__scs_overlays_trampoline_lowered:
0x8: {  	[smem:$0x3FA9] =	sst s0  }
0x9: {  	[smem:$0x3FAA] =	sst s1  }
0xa: {  	[smem:$0x3FAB] =	sst s2  }
0xb: {  	[smem:$0x3FAC] =	sst s3  }
0xc: {  	[smem:$0x3FAD] =	sst s4  }
0xd: {  	[smem:$0x3FAE] =	sst s5  }
0xe: {  	[smem:$0x3FAF] =	sst s6  }
0xf: {  	[smem:$0x3FB0] =	sst s7  }
0x10: {  	[smem:$0x3FB1] =	sst s8  }
0x11: {  	[smem:$0x3FB2] =	sst s9;
	s0 =	simm.s32 @!p0 $0x0  }
0x12: {  	s1 =	sld [smem:$0x3F98];
	s0 =	simm.s32 @p0 $0x1  }
0x13: {  	[smem:$0x3FB3] =	sst s0;
	s0 =	simm.s32 @!p1 $0x0  }
0x14: {  	s2 =	sld [smem:$0x3F97];
	s0 =	simm.s32 @p1 $0x1  }
0x15: {  	[smem:$0x3FB4] =	sst s0;
	s0 =	simm.s32 @!p2 $0x0  }
0x16: {  	s3 =	sld [smem:$0x3FDB];
	s0 =	simm.s32 @p2 $0x1  }
0x17: {  	s4 =	simm.s32 $0x1BF5;
	[smem:$0x3FB6] =	sst s0  }
0x18: {  	s0 =	sld [smem:$0x3F99];
	_ =	swait.ge [sflag:s4], $0x0  }
0x19: {  	s7 =	sld [smem:$0x3F9A]  }
0x1a: {  	s8 =	sadd.s32 $0xFFFFE003, lr  }
0x1b: {  	s9 =	sadd.s32 $0xFFFFFEF7, lr;
	s5 =	simm.s32 $0xFFFFFFFF;
	p2 =	slt.u32 s8, $0xFFFFF086  }
0x1c: {  	p1 =	slt.u32 s9, $0xF7A;
	s5 =	simm.s32 @!p2 $0x0  }
0x1d: {  	s5 =	simm.s32 @p1 $0x1;
	p0 =	seq.s32 s7, s2  }
0x1e: {  	s7 =	smul.u32 @!p0 $0xF7A, s2;
	p2 =	seq.s32 @!p0 s5, $0x0  }
0x1f: {  	s9 =	smul.u32 $0xF7A, s1;
	s8 =	simm.s32 @!p0 $0x1BF5;
	p2 =	por !p2, p0  }
0x20: {  	[sflag:s8] =	ssyncset.s32 @!p0 $0xFFFFF086;
	s6 =	sadd.s32 @!p0 s3, s7;
	s7 =	simm.s32 @!p0 $0x108  }
0x21: {  	s3 =	sadd.s32 s3, s9;
	s6 =	sadd.s32 @!p0 $0x88, s6;
	s7 =	simm.s32 @p2 $0x1082  }
0x22: {  	[simem:s7], [sflag:s8] =	dma.local @!p0 [hbm:s6], $0xF7A  }
0x23: {  	s9 =	sor.u32 $0xD0000000, s2;
	s6 =	simm.s32 $0x108;
	_ =	swait.ge @!p0 [sflag:s8], $0x0  }
0x24: {  	s3 =	sadd.s32 $0x88, s3;
	s6 =	simm.s32 @!p1 $0x1082;
	[sflag:s4] =	ssyncset.s32 $0xFFFFF086  }
0x25: {  	[simem:s6], [sflag:s4] =	dma.local [hbm:s3], $0xF7A  }
0x26: {  	[smem:$0x3F9A] =	sst s1;
	(tag) =	ssettag s2;
	_ =	strace s9  }
0x27: {  	s1 =	sld [smem:$0x3FAA]  }
0x28: {  	s2 =	sld [smem:$0x3FAB]  }
0x29: {  	s4 =	sld [smem:$0x3FAD]  }
0x2a: {  	p0 =	seq.s32 s5, $0x0;
	s5 =	sld [smem:$0x3FAE]  }
0x2b: {  	s6 =	sld [smem:$0x3FAF]  }
0x2c: {  	s7 =	sld [smem:$0x3FB0]  }
0x2d: {  	s3 =	simm.s32 $0x108;
	s8 =	sld [smem:$0x3FB1]  }
0x2e: {  	s3 =	simm.s32 @!p0 $0x1082;
	s9 =	sld [smem:$0x3FB2]  }
0x2f: {  	lr =	sadd.s32 s0, s3;
	s0 =	sld [smem:$0x3FA9]  }
0x30: {  	s3 =	sld [smem:$0x3FAC]  }
0x31: {  	[smem:$0x3FB5] =	sst s10  }
0x32: {  	s10 =	sld [smem:$0x3FB3];
	_ =	sdelay $0x3  }
0x33: {  	p0 =	seq.s32 s10, $0x1;
	s10 =	sld [smem:$0x3FB5];
	_ =	sdelay $0x3  }
0x34: {  	[smem:$0x3FB5] =	sst s10  }
0x35: {  	s10 =	sld [smem:$0x3FB4];
	_ =	sdelay $0x3  }
0x36: {  	p1 =	seq.s32 s10, $0x1;
	s10 =	sld [smem:$0x3FB5];
	_ =	sdelay $0x3  }
0x37: {  	[smem:$0x3FB5] =	sst s10  }
0x38: {  	s10 =	sld [smem:$0x3FB6]  }
0x39: {  	_ = 	snop;
	(pc) =	sbr.ind lr, $3  }
0x3a: {  	_ = 	snop  }
0x3b: {  	_ = 	snop  }
0x3c: {  	p2 =	seq.s32 s10, $0x1;
	s10 =	sld [smem:$0x3FB5]  }
0x3d: {  	_ =	shalt  }
0x3e: {  	_ =	shalt  }
0x3f: {  	_ =	shalt  }
0x40: {  	_ =	shalt  }
0x41: {  	_ =	shalt  }
0x42: {  	_ =	shalt  }
0x43: {  	_ =	shalt  }
0x44: {  	_ =	shalt  }
0x45: {  	_ =	shalt  }
0x46: {  	_ =	shalt  }
0x47: {  	_ =	shalt  }
0x48: {  	_ =	shalt  }
0x49: {  	_ =	shalt  }
0x4a: {  	_ =	shalt  }
0x4b: {  	_ =	shalt  }
0x4c: {  	_ =	shalt  }
0x4d: {  	_ =	shalt  }
0x4e: {  	_ =	shalt  }
0x4f: {  	_ =	shalt  }
0x50: {  	_ =	shalt  }
0x51: {  	_ =	shalt  }
0x52: {  	_ =	shalt  }
0x53: {  	_ =	shalt  }
0x54: {  	_ =	shalt  }
0x55: {  	_ =	shalt  }
0x56: {  	_ =	shalt  }
0x57: {  	_ =	shalt  }
0x58: {  	_ =	shalt  }
0x59: {  	_ =	shalt  }
0x5a: {  	_ =	shalt  }
0x5b: {  	_ =	shalt  }
0x5c: {  	_ =	shalt  }
0x5d: {  	_ =	shalt  }
0x5e: {  	_ =	shalt  }
0x5f: {  	_ =	shalt  }
0x60: {  	_ =	shalt  }
0x61: {  	_ =	shalt  }
0x62: {  	_ =	shalt  }
0x63: {  	_ =	shalt  }
0x64: {  	_ =	shalt  }
0x65: {  	_ =	shalt  }
0x66: {  	_ =	shalt  }
0x67: {  	_ =	shalt  }
0x68: {  	_ =	shalt  }
0x69: {  	_ =	shalt  }
0x6a: {  	_ =	shalt  }
0x6b: {  	_ =	shalt  }
0x6c: {  	_ =	shalt  }
0x6d: {  	_ =	shalt  }
0x6e: {  	_ =	shalt  }
0x6f: {  	_ =	shalt  }
0x70: {  	_ =	shalt  }
0x71: {  	_ =	shalt  }
0x72: {  	_ =	shalt  }
0x73: {  	_ =	shalt  }
0x74: {  	_ =	shalt  }
0x75: {  	_ =	shalt  }
0x76: {  	_ =	shalt  }
0x77: {  	_ =	shalt  }
0x78: {  	_ =	shalt  }
0x79: {  	_ =	shalt  }
0x7a: {  	_ =	shalt  }
0x7b: {  	_ =	shalt  }
0x7c: {  	_ =	shalt  }
0x7d: {  	_ =	shalt  }
0x7e: {  	_ =	shalt  }
0x7f: {  	_ =	shalt  }
0x80: {  	_ =	shalt  }
0x81: {  	_ =	shalt  }
0x82: {  	_ =	shalt  }
0x83: {  	_ =	shalt  }
0x84: {  	_ =	shalt  }
0x85: {  	_ =	shalt  }
0x86: {  	_ =	shalt  }
0x87: {  	_ =	shalt  }
.Lfunc_end0:
.L_simem_size_0:
called_computation_lowered:
.L_overlay_start_0:
0x88: {  	s2 =	sld [smem:$0x3FD9]  }
0x89: {  	s3 =	sld [smem:$0x3FFE];
	_ =	sdelay $0x1  }
0x8a: {  	s1 =	srdreg.scid  }
0x8b: {  	s0 =	sand.u32 $0x1, s1  }
0x8c: {  	s17 =	sshll.u32 s0, $0xA;
	s2 =	sadd.s32 s3, s2  }
0x8d: {  	s2 =	sadd.s32 s2, s17  }
0x8e: {  	[smem:$0x3FC1] =	sst s2  }
0x8f: {  	_ = 	snop  }
0x90: {  	s2 =	sld [smem:$0x3FC9]  }
0x91: {  	s18 =	sld [smem:$0x3FC8]  }
0x92: {  	s4 =	sld [smem:$0x3FC7]  }
0x93: {  	s5 =	sld [smem:$0x3FC6]  }
0x94: {  	s6 =	sld [smem:$0x3FC5]  }
0x95: {  	s7 =	sld [smem:$0x3FC4]  }
0x96: {  	s8 =	sld [smem:$0x3FC3];
	(tm) =	ssettm $0x1  }
0x97: {  	s9 =	sld [smem:$0x3FFB];
	_ =	sdelay $0x3  }
0x98: {  	_ =	strace s9  }
0x99: {  	s9 =	sld [smem:$0x3FFC];
	_ =	sdelay $0x3  }
0x9a: {  	_ =	strace s9  }
0x9b: {  	s9 =	sld [smem:$0x3FFD];
	_ =	sdelay $0x3  }
0x9c: {  	_ =	strace s9  }
0x9d: {  	_ =	strace $0x8FFFFFFF  }
0x9e: {  	s19 =	sld [smem:$0x3FDB];
	_ =	sdelay $0x1  }
0x9f: {  	s10 =	simm.s32 $_scs_section_size  }
0xa0: {  	s11 =	simm.s32 $_size__tile_overlayer_lowered;
	s12 =	simm.s32 $_tile_overlayer_lowered  }
0xa1: {  	s22 =	simm.s32 $0x1BFF;
	s21 =	sshll.u32 s12, $0x1;
	s9 =	sadd.s32 s10, s19  }
0xa2: {  	s13 =	simm.s32 $0x0;
	s20 =	sshll.u32 s11, $0x1;
	s11 =	sadd.s32 s21, s9  }
0xa3: {  	[timem:s13], [sflag:s22] =	dma.local [hbm:s11], s20  }
0xa4: {  	_ =	swait.ge [sflag:s22], s20  }
0xa5: {  	s10 =	ssub.s32 $0x0, s20;
	[sflag:s22] =	ssyncset.done $0x0  }
0xa6: {  	[sflag:s22] =	ssyncadd.s32 s10;
	_ =	sdelay $0x1  }
0xa7: {  	s23 =	simm.s32 $0x1B8B  }
0xa8: {  	_ =	swait.ge [sflag:s23], $0x1  }
0xa9: {  	[sflag:s23] =	ssyncset.done $0x0  }
0xaa: {  	s25 =	simm.s32 $0x1B8E;
	s24 =	sld [smem:$0x3FFE];
	[sflag:s23] =	ssyncadd.s32 $0xFFFFFFFF  }
0xab: {  	s26 =	simm.s32 $execute0_lowered;
	[smem:$0x3FD2] =	sst s25  }
0xac: {  	s11 =	sshll.u32 s26, $0x1;
	_ =	strace $0x80000046;
	[dreg:$0x1] =	wrdreg $0xFFFFFFFF  }
0xad: {  	s28 =	simm.s32 $_size_execute0_lowered;
	s9 =	sadd.s32 s9, s11;
	[dreg:$0x0] =	wrdreg $0x0  }
0xae: {  	s11 =	sshll.u32 s28, $0x1;
	[dreg:$0x2] =	wrdreg s9  }
0xaf: {  	[dreg:$0x3] =	wrdreg s11  }
0xb0: {  	[dreg:$0x4] =	wrdreg $0xC0  }
0xb1: {  	_ =	task [dreg:s13], $0x5FFFF  }
0xb2: {  	[dreg:$0x1] =	wrdreg $0xFFFFFFFF  }
0xb3: {  	[dreg:$0x0] =	wrdreg $0x60  }
0xb4: {  	[dreg:$0x2] =	wrdreg s2  }
0xb5: {  	[dreg:$0x3] =	wrdreg s18  }
0xb6: {  	[dreg:$0x4] =	wrdreg s4  }
0xb7: {  	[dreg:$0x5] =	wrdreg s5  }
0xb8: {  	[dreg:$0x6] =	wrdreg s6  }
0xb9: {  	[dreg:$0x7] =	wrdreg s7  }
0xba: {  	[dreg:$0x8] =	wrdreg s8  }
0xbb: {  	[dreg:$0x9] =	wrdreg s24  }
0xbc: {  	[dreg:$0xa] =	wrdreg $0x9  }
0xbd: {  	_ =	task.clear_ibuf [dreg:s13], $0xBFFFF;
	_ =	strace $0x90000046  }
0xbe: {  	s29 =	simm.s32 $0x9;
	_ =	strace $0x80000048  }
0xbf: {  	_ =	swait.ge [sflag:s29], $0x1  }
0xc0: {  	[sflag:s29] =	ssyncadd.s32 $0xFFFFFFFF  }
0xc1: {  	_ =	strace $0x90000048  }
0xc2: {  	_ =	sfence  }
0xc3: {  	s30 =	sld [smem:$0x0];
	_ =	sdelay $0x2  }
0xc4: {  	s31 =	sshll.u32 s1, $0xD;
	s1 =	sshrl.u32 s1, $0x2  }
0xc5: {  	s3 =	sand.u32 $0x4000, s31;
	s1 =	sadd.s32 s1, s30  }
0xc6: {  	s0 =	sor.u32 s3, s0;
	s1 =	sshll.u32 s1, $0x11  }
0xc7: {  	s0 =	sor.u32 s1, s0  }
0xc8: {  	s0 =	sadd.s32 $0x8F2B, s0  }
0xc9: {  	[sflag:s0] =	ssyncadd.remote.s32 $0x1  }
0xca: {  	_ =	sfence.sel $0xFFFF  }
0xcb: {  	[dreg:$0x0] =	wrdreg $0xFFFFFFFF;
	(pc) =	sbr.abs _section_cstart, $3  }
0xcc: {  	[dreg:$0x1] =	wrdreg $0xFFFFFFFF  }
0xcd: {  	_ =	task.clear_ibuf [dreg:s13], $0x2FFFF;
	_ =	strace $0x9FFFFFFF  }
0xce: {  	(tm) =	ssettm $0x7FFFFFFF  }
0xcf: {  	_ =	shalt  }
tec
execute0_lowered:
.L_overlay_start_1:
0x0: {  	(tag) =	ssettag $0x1  }
0x1: {  	s0 =	rddreg [dreg:$0x0]  }
0x2: {  	s1 =	rddreg [dreg:$0x1]  }
0x3: {  	s3 =	rddreg [dreg:$0x2]  }
0x4: {  	s4 =	rddreg [dreg:$0x3]  }
0x5: {  	s5 =	rddreg [dreg:$0x4]  }
0x6: {  	s6 =	rddreg [dreg:$0x5]  }
0x7: {  	s9 =	rddreg [dreg:$0x6]  }
0x8: {  	s7 =	rddreg [dreg:$0x7]  }
0x9: {  	s2 =	srdreg.scid;
	s10 =	stileid.u32  }
0xa: {  	s14 =	simm.s32 $0x8000;
	s15 =	simm.s32 $0x1;
	s22 =	simm.s32 $0x0  }
0xb: {  	s8 =	sand.u32 $0x1, s2;
	s10 =	sshll.u32 s10, $0x1;
	s2 =	simm.s32 $0x0  }
0xc: {  	s10 =	sor.u32 s8, s10;
	s8 =	ssub.s32 $0x2, s8;
	[smem:$0x7FF] =	sst s2  }
0xd: {  	s11 =	sshll.u32 s10, $0x7;
	s12 =	sshrl.u32 s8, $0x1;
	_ =	strace $0x80000047  }
0xe: {  	s31 =	sshll.u32 s10, $0x6;
	s13 =	sadd.s32 s11, s7;
	s0 =	sadd.s32 s0, s11  }
0xf: {  	s12 =	ssub.s32 s8, s12;
	s28 =	sadd.s32 s1, s11;
	[dreg:$0x9] =	wrdreg s0  }
0x10: {  	s29 =	sadd.s32 s3, s11;
	s30 =	sadd.s32 s4, s11;
	[dreg:$0xa] =	wrdreg s28  }
0x11: {  	s7 =	sadd.s32 s5, s11;
	s8 =	sadd.s32 s6, s11;
	[dreg:$0xb] =	wrdreg s29  }
0x12: {  	s9 =	sadd.s32 s9, s31;
	[dreg:$0xc] =	wrdreg s30;
	s10 =	sadd.s32 $0x800, s13  }
0x13: {  	v0 =	vimm.f32 $0.0e+00;
	v1 =	vimm.s32 $0x0;
	vm0 =	vmmov $0xffff;
	s11 =	sadd.s32 $0x1800, s13;
	s12 =	smax.u32 s12, $0x1;
	s13 =	simm.s32 $0x400  }
.LBB2_1:
0x14: {  	s0 =	rddreg [dreg:$0x9]  }
0x15: {  	[tilespmem:s2], [sflag:$0x1] =	stream.strided.gather [hbm4b:s0+s13], $0x4000, s14, s13, $0x38;
	[tilespmem:$0x18A00] =	vst v63  }
0x16: {  	_ =	swait.ge [sflag:s15], $0x4000  }
0x17: {  	[sflag:s15] =	ssyncset.done $0x0  }
0x18: {  	s1 =	simm.s32 $0x4000;
	s20 =	rddreg [dreg:$0xa];
	[sflag:s15] =	ssyncadd.s32 $0xFFFFC000  }
0x19: {  	[tilespmem:s1], [sflag:$0x1] =	stream.strided.gather [hbm4b:s20+s13], $0x4000, s14, s13, $0x38;
	[tilespmem:$0x18A00] =	vst v63  }
0x1a: {  	_ =	swait.ge [sflag:s15], $0x4000  }
0x1b: {  	[sflag:s15] =	ssyncset.done $0x0  }
0x1c: {  	s21 =	rddreg [dreg:$0xb];
	[sflag:s15] =	ssyncadd.s32 $0xFFFFC000  }
0x1d: {  	[tilespmem:s14], [sflag:$0x1] =	stream.strided.gather [hbm4b:s21+s13], $0x4000, s14, s13, $0x38;
	[tilespmem:$0x18A00] =	vst v63  }
0x1e: {  	_ =	swait.ge [sflag:s15], $0x4000  }
0x1f: {  	[sflag:s15] =	ssyncset.done $0x0  }
0x20: {  	s24 =	simm.s32 $0xC000;
	s23 =	rddreg [dreg:$0xc];
	[sflag:s15] =	ssyncadd.s32 $0xFFFFC000  }
0x21: {  	[tilespmem:s24], [sflag:$0x1] =	stream.strided.gather [hbm4b:s23+s13], $0x4000, s14, s13, $0x38;
	[tilespmem:$0x18A00] =	vst v63  }
0x22: {  	_ =	swait.ge [sflag:s15], $0x4000  }
0x23: {  	[sflag:s15] =	ssyncset.done $0x0  }
0x24: {  	s25 =	simm.s32 $0x10000;
	[sflag:s15] =	ssyncadd.s32 $0xFFFFC000  }
0x25: {  	[tilespmem:s25], [sflag:$0x1] =	stream.strided.gather [hbm4b:s7+s13], $0x4000, s14, s13, $0x38;
	[tilespmem:$0x18A00] =	vst v63  }
0x26: {  	_ =	swait.ge [sflag:s15], $0x4000  }
0x27: {  	[sflag:s15] =	ssyncset.done $0x0  }
0x28: {  	s23 =	simm.s32 $0x14000;
	[sflag:s15] =	ssyncadd.s32 $0xFFFFC000  }
0x29: {  	[tilespmem:s23], [sflag:$0x1] =	stream.strided.gather [hbm4b:s8+s13], $0x4000, s14, s13, $0x38;
	[tilespmem:$0x18A00] =	vst v63  }
0x2a: {  	_ =	swait.ge [sflag:s15], $0x4000  }
0x2b: {  	s26 =	simm.s32 $0x18000;
	[sflag:s15] =	ssyncset.done $0x0  }
0x2c: {  	s28 =	simm.s32 $0x8300;
	s29 =	simm.s32 $0x4300;
	[sflag:s15] =	ssyncadd.s32 $0xFFFFC000  }
0x2d: {  	[tilespmem:s26], [sflag:$0x1] =	stream.linear.gather [hbm4b:s9+s2], $0x200, $0x38;
	[tilespmem:$0x18A00] =	vst v63  }
0x2e: {  	s30 =	simm.s32 $0x300;
	s31 =	simm.s32 $0x14380;
	_ =	swait.ge [sflag:s15], $0x200  }
0x2f: {  	s0 =	simm.s32 $0x0;
	s24 =	simm.s32 $0x10100;
	[sflag:s15] =	ssyncset.done $0x0  }
0x30: {  	s25 =	simm.s32 $0x10380;
	s26 =	simm.s32 $0xC300;
	[sflag:s15] =	ssyncadd.s32 $0xFFFFFE00  }
.LBB2_2:
0x31: {  	s1 =	sshll.u32 s0, $0x4;
	v10 =	vmov s23  }
0x32: {  	v2 =	vld [tilespmem:s1+$0x18000]  }
0x33: {  	v3 =	vld [tilespmem:s1+$0x18080]  }
0x34: {  	v6 =	vmov s24;
	v4 =	vld [tilespmem:s1+$0x18100]  }
0x35: {  	s4 =	simm.s32 $0x0;
	v5 =	vld [tilespmem:s1+$0x18180]  }
0x36: {  	v9 =	vld.idx.msk [tilespmem:v10+s4+$0x0 ss:$0x1], $0xffff  }
0x37: {  	v13 =	vld.idx.msk [tilespmem:v10+s4+$0x80 ss:$0x1], $0xffff  }
0x38: {  	v15 =	vld.idx.msk [tilespmem:v10+s4+$0x100 ss:$0x1], $0xffff  }
0x39: {  	v16 =	vld.idx.msk [tilespmem:v6+s4+$0x0 ss:$0x1], $0xffff  }
0x3a: {  	v17 =	vld.idx.msk [tilespmem:v10+s4+$0x180 ss:$0x1], $0xffff  }
0x3b: {  	v18 =	vld.idx.msk [tilespmem:v6+s4+$0x80 ss:$0x1], $0xffff  }
0x3c: {  	v19 =	vld.idx.msk [tilespmem:v6+s4+$0xFFFFFF80 ss:$0x1], $0xffff  }
0x3d: {  	s3 =	simm.s32 $0x200;
	v14 =	vld.idx.msk [tilespmem:v6+s4+$0xFFFFFF00 ss:$0x1], $0xffff  }
0x3e: {  	v12 =	vld.idx.msk [tilespmem:v10+s3+$0x0 ss:$0x1], $0xffff  }
0x3f: {  	v8 =	vimm.f32 $0.0e+00;
	v11 =	vld.idx.msk [tilespmem:v10+s3+$0x80 ss:$0x1], $0xffff  }
0x40: {  	v7 =	vld.idx.msk [tilespmem:v10+s3+$0x100 ss:$0x1], $0xffff;
	vm1 =	vgt.f32 v9, $5.000000000e-01;
	vm2 =	vgt.f32 v13, $5.000000000e-01;
	vm4 =	vgt.f32 v15, $5.000000000e-01  }
0x41: {  	s18 =	sor.u32 $0x80, s1;
	v9 =	vld.idx.msk [tilespmem:v6+s3+$0x0 ss:$0x1], $0xffff;
	vm5 =	vle.f32 v16, $1.200000000e+02;
	vm6 =	vgt.f32 v17, $5.000000000e-01;
	vm7 =	vle.f32 v18, $1.200000000e+02  }
0x42: {  	s17 =	sor.u32 $0x100, s1;
	s16 =	sor.u32 $0x180, s1;
	s4 =	simm.s32 $0x1000;
	v13 =	vld.idx.msk [tilespmem:v10+s3+$0x180 ss:$0x1], $0xffff;
	vm3 =	vle.f32 v19, $1.200000000e+02;
	vm4 =	vmand vm4, vm5;
	vm5 =	vmand vm6, vm7  }
.LBB2_3:
0x43: {  	p0 =	sne.s32 s4, $0xF800;
	v15 =	vld.idx.msk [tilespmem:v6+s3+$0x80 ss:$0x1], $0xffff;
	vm6 =	vle.f32 v14, $1.200000000e+02;
	vm2 =	vmand vm2, vm3;
	vm3 =	vmor vm5, vm4  }
0x44: {  	v17 =	vmov v12;
	v16 =	vld.idx.msk [tilespmem:v6+s3+$0xFFFFFF80 ss:$0x1], $0xffff;
	vm1 =	vmand vm1, vm6;
	vm2 =	vmor vm3, vm2  }
0x45: {  	v18 =	vmov v11;
	v14 =	vld.idx.msk [tilespmem:v6+s3+$0xFFFFFF00 ss:$0x1], $0xffff;
	s3 =	sshra.s32 s4, $0x2;
	vm1 =	vmor vm2, vm1  }
.Ltmp0:
0x46: {  	v12 =	vld.idx.msk [tilespmem:v10+s3+$0x0 ss:$0x1], $0xffff;
	v8 =	vsel vm1, $0x3F800000, v8;
	(pc) =	sbr.rel @p0 .LBB2_3-.Ltmp0, $4  }
0x47: {  	v11 =	vld.idx.msk [tilespmem:v10+s3+$0x80 ss:$0x1], $0xffff  }
0x48: {  	vm2 =	vgt.f32 v18, $5.000000000e-01;
	vm4 =	vgt.f32 v7, $5.000000000e-01;
	vm1 =	vgt.f32 v17, $5.000000000e-01;
	v7 =	vld.idx.msk [tilespmem:v10+s3+$0x100 ss:$0x1], $0xffff  }
0x49: {  	vm5 =	vle.f32 v9, $1.200000000e+02;
	vm6 =	vgt.f32 v13, $5.000000000e-01;
	vm7 =	vle.f32 v15, $1.200000000e+02;
	v9 =	vld.idx.msk [tilespmem:v6+s3+$0x0 ss:$0x1], $0xffff  }
0x4a: {  	s4 =	sadd.s32 $0x800, s4;
	vm4 =	vmand vm4, vm5;
	vm3 =	vle.f32 v16, $1.200000000e+02;
	vm5 =	vmand vm6, vm7;
	v13 =	vld.idx.msk [tilespmem:v10+s3+$0x180 ss:$0x1], $0xffff  }
0x4b: {  	v10 =	vld [tilespmem:s1+$0x4000];
	_ =	sdelay $0x2  }
0x4c: {  	v15 =	vld [tilespmem:s1+$0x10000]  }
0x4d: {  	v16 =	vld.idx.msk [tilespmem:v6+s3+$0x80 ss:$0x1], $0xffff  }
0x4e: {  	vm6 =	vle.f32 v14, $1.200000000e+02;
	v14 =	vld [tilespmem:s1+$0x0];
	v10 =	vsub.f32 v10, v3  }
0x4f: {  	v17 =	vld.idx.msk [tilespmem:v6+s3+$0xFFFFFF80 ss:$0x1], $0xffff  }
0x50: {  	v6 =	vld.idx.msk [tilespmem:v6+s3+$0xFFFFFF00 ss:$0x1], $0xffff;
	v10 =	vand.u32 $0x7FFFFFFF, v10  }
0x51: {  	vm2 =	vmand vm2, vm3;
	vm3 =	vmor vm5, vm4;
	v19 =	vld [tilespmem:s1+$0xC000];
	v10 =	vadd.f32 $1.000000000e+00, v10  }
0x52: {  	vm1 =	vmand vm1, vm6;
	vm2 =	vmor vm3, vm2;
	v18 =	vadd.f32 $1.000000000e+00, v15  }
0x53: {  	vm1 =	vmor vm2, vm1;
	vm3 =	vgt.f32 v7, $5.000000000e-01;
	(erf) = vrcp.f32 v10  }
0x54: {  	v7 =	vld [tilespmem:s1+$0x8000];
	vm4 =	vle.f32 v9, $1.200000000e+02;
	vm5 =	vgt.f32 v13, $5.000000000e-01;
	(erf) = vrcp.f32 v18  }
0x55: {  	vm3 =	vmand vm3, vm4;
	v9 =	vsub.f32 v14, v2;
	vm6 =	vle.f32 v16, $1.200000000e+02;
	v10 =	vld [tilespmem:s18+$0x4000]  }
0x56: {  	vm4 =	vmand vm5, vm6;
	vm5 =	vle.f32 v6, $1.200000000e+02;
	v6 =	vsub.f32 v19, v5  }
0x57: {  	vm2 =	vgt.f32 v11, $5.000000000e-01;
	v8 =	vsel vm1, $0x3F800000, v8;
	v9 =	vand.u32 $0x7FFFFFFF, v9  }
0x58: {  	v11 =	vld [tilespmem:s18+$0x10000];
	vm1 =	vgt.f32 v12, $5.000000000e-01;
	v9 =	vadd.f32 $1.000000000e+00, v9;
	v6 =	vand.u32 $0x7FFFFFFF, v6  }
0x59: {  	vm3 =	vmor vm4, vm3;
	v7 =	vsub.f32 v4, v7;
	vm4 =	vlt.f32 v6, $5.000000000e-01  }
0x5a: {  	v6 =	vadd.f32 $-1.000000000e+00, v6;
	(erf) = vrcp.f32 v9;
	v10 =	vsub.f32 v10, v3  }
0x5b: {  	vm1 =	vmand vm1, vm5;
	v7 =	vmax.f32 v7, $0.0e+00  }
0x5c: {  	v7 =	vmul.f32 $1.000000010e-01, v7;
	v6 =	vand.u32 $0x7FFFFFFF, v6;
	v9 =	vld [tilespmem:s18+$0x0];
	v10 =	vand.u32 $0x7FFFFFFF, v10;
	v12 =	vpop (erf)  }
0x5d: {  	v14 =	vadd.f32 $1.000000000e+00, v11;
	vm5 =	vlt.f32 v6, $5.000000000e-01;
	v10 =	vadd.f32 $1.000000000e+00, v10;
	v13 =	vpop (erf)  }
0x5e: {  	v16 =	vld [tilespmem:s18+$0xC000];
	v6 =	vmin.f32 v7, $2.000000000e+00;
	v12 =	vmul.f32 $1.250000000e+00, v12;
	v13 =	vmul.f32 $7.500000000e-01, v13  }
0x5f: {  	v6 =	vmul.f32 $2.500000000e-01, v6;
	(erf) = vrcp.f32 v10  }
0x60: {  	(erf) = vrcp.f32 v14;
	v7 =	vadd.f32 v13, v12;
	v13 =	vsel vm5, $0x3DCCCCCD, v0  }
0x61: {  	vm7 =	vle.f32 v17, $1.200000000e+02;
	v9 =	vsub.f32 v9, v2;
	v10 =	vld [tilespmem:s18+$0x8000];
	v12 =	vsel vm4, $0x3E4CCCCD, v0  }
0x62: {  	vm2 =	vmand vm2, vm7;
	v12 =	vadd.f32 v13, v12;
	v6 =	vadd.f32 v7, v6  }
0x63: {  	vm2 =	vmor vm3, vm2;
	v14 =	vsub.f32 v16, v5;
	v13 =	vpop (erf)  }
0x64: {  	v7 =	vand.u32 $0x7FFFFFFF, v9;
	v9 =	vld [tilespmem:s17+$0x4000];
	v6 =	vadd.f32 v12, v6;
	v12 =	vmul.f32 $1.500000060e-01, v13  }
0x65: {  	vm1 =	vmor vm2, vm1;
	v7 =	vadd.f32 $1.000000000e+00, v7  }
0x66: {  	v8 =	vsel vm1, $0x3F800000, v8;
	v10 =	vsub.f32 v4, v10;
	v13 =	vand.u32 $0x7FFFFFFF, v14  }
0x67: {  	vm1 =	vlt.f32 v8, $5.000000000e-01;
	v8 =	vld [tilespmem:s17+$0x10000];
	(erf) = vrcp.f32 v7  }
0x68: {  	v10 =	vmax.f32 v10, $0.0e+00;
	v7 =	vadd.f32 $-1.000000000e+00, v13;
	v6 =	vadd.f32 v6, v12;
	v12 =	vpop (erf)  }
0x69: {  	v14 =	vld [tilespmem:s1+$0x14000];
	vm3 =	vlt.f32 v13, $5.000000000e-01;
	v10 =	vmul.f32 $1.000000010e-01, v10;
	v9 =	vsub.f32 v9, v3;
	v13 =	vpop (erf)  }
0x6a: {  	v7 =	vand.u32 $0x7FFFFFFF, v7;
	v12 =	vmul.f32 $1.250000000e+00, v12;
	v13 =	vmul.f32 $7.500000000e-01, v13  }
0x6b: {  	vm2 =	vle.f32 v15, $1.200000000e+02;
	v15 =	vld [tilespmem:s17+$0x0];
	vm4 =	vlt.f32 v7, $5.000000000e-01;
	v7 =	vmin.f32 v10, $2.000000000e+00  }
0x6c: {  	v9 =	vand.u32 $0x7FFFFFFF, v9;
	v10 =	vadd.f32 v13, v12;
	v12 =	vadd.f32 $1.000000000e+00, v8  }
0x6d: {  	v18 =	vld [tilespmem:s1+$0x4200];
	v7 =	vmul.f32 $2.500000000e-01, v7;
	v9 =	vadd.f32 $1.000000000e+00, v9  }
0x6e: {  	v16 =	vsel vm3, $0x3E4CCCCD, v0;
	v17 =	vsel vm4, $0x3DCCCCCD, v0;
	vm3 =	vgt.f32 v14, $5.000000000e-01;
	v14 =	vld [tilespmem:s17+$0x8000]  }
0x6f: {  	(erf) = vrcp.f32 v9;
	v9 =	vadd.f32 v17, v16;
	v7 =	vadd.f32 v10, v7;
	v10 =	vld [tilespmem:s17+$0xC000]  }
0x70: {  	vm2 =	vmor vm1, vm2;
	v15 =	vsub.f32 v15, v2;
	v13 =	vld [tilespmem:s18+$0x14000];
	(erf) = vrcp.f32 v12;
	v12 =	vpop (erf)  }
0x71: {  	vm4 =	vle.f32 v11, $1.200000000e+02;
	v7 =	vadd.f32 v9, v7;
	v9 =	vmul.f32 $1.500000060e-01, v12  }
0x72: {  	v18 =	vsub.f32 v18, v3;
	vm2 =	vmand vm3, vm2;
	vm4 =	vmor vm1, vm4  }
0x73: {  	v6 =	vnsel vm2, $0xFF800000, v6;
	v12 =	vand.u32 $0x7FFFFFFF, v15;
	v7 =	vadd.f32 v7, v9  }
0x74: {  	vm2 =	vne.f32 v6, v6;
	v9 =	vadd.f32 $1.000000000e+00, v12;
	v10 =	vsub.f32 v10, v5  }
0x75: {  	v6 =	vsel vm2, $0xFF800000, v6;
	v11 =	vsub.f32 v4, v14;
	vm3 =	vgt.f32 v13, $5.000000000e-01  }
0x76: {  	vm3 =	vmand vm3, vm4;
	(erf) = vrcp.f32 v9;
	v9 =	vand.u32 $0x7FFFFFFF, v10  }
0x77: {  	v11 =	vmax.f32 v11, $0.0e+00;
	v7 =	vnsel vm3, $0xFF800000, v7;
	v10 =	vadd.f32 $-1.000000000e+00, v9  }
0x78: {  	v18 =	vand.u32 $0x7FFFFFFF, v18;
	v11 =	vmul.f32 $1.000000010e-01, v11;
	v12 =	vpop (erf);
	vm3 =	veq.f32 v7, v6  }
0x79: {  	v13 =	vld [tilespmem:s16+$0x4000];
	vm4 =	vlt.f32 v9, $5.000000000e-01;
	v12 =	vmul.f32 $1.250000000e+00, v12;
	v9 =	vpop (erf);
	v10 =	vand.u32 $0x7FFFFFFF, v10  }
0x7a: {  	v14 =	vsel vm4, $0x3E4CCCCD, v0;
	v9 =	vmul.f32 $7.500000000e-01, v9;
	vm4 =	vlt.f32 v10, $5.000000000e-01  }
0x7b: {  	vm3 =	vmand vm2, vm3;
	v10 =	vmin.f32 v11, $2.000000000e+00;
	v11 =	vsel vm4, $0x3DCCCCCD, v0  }
0x7c: {  	v10 =	vmul.f32 $2.500000000e-01, v10;
	vm4 =	vgt.f32 v7, v6;
	v9 =	vadd.f32 v9, v12;
	v12 =	vld [tilespmem:s16+$0x10000]  }
0x7d: {  	vm5 =	veq.f32 v7, v7;
	v11 =	vadd.f32 v11, v14;
	v14 =	vld [tilespmem:s17+$0x14000];
	vm3 =	vmor vm4, vm3  }
0x7e: {  	vm4 =	vmand vm5, vm0;
	v9 =	vadd.f32 v9, v10;
	v10 =	vsub.f32 v13, v3  }
0x7f: {  	vm5 =	vle.f32 v8, $1.200000000e+02;
	v16 =	vsel vm3, v7, v6;
	v6 =	vsel vm3, v6, v7;
	v15 =	vpop (erf)  }
0x80: {  	v9 =	vadd.f32 v11, v9;
	v11 =	vmul.f32 $1.500000060e-01, v15;
	v15 =	vld [tilespmem:s16+$0x0];
	v10 =	vand.u32 $0x7FFFFFFF, v10  }
0x81: {  	vm5 =	vmor vm1, vm5;
	v13 =	vsel vm2, $0x40000000, v1;
	v7 =	vadd.f32 $1.000000000e+00, v10  }
0x82: {  	v8 =	vadd.f32 $1.000000000e+00, v12;
	vm6 =	vgt.f32 v14, $5.000000000e-01;
	v9 =	vadd.f32 v9, v11  }
0x83: {  	v6 =	vnsel vm4, $0xFF800000, v6;
	vm5 =	vmand vm6, vm5;
	(erf) = vrcp.f32 v7  }
0x84: {  	v10 =	vld [tilespmem:s16+$0xC000];
	(erf) = vrcp.f32 v8;
	v8 =	vnsel vm3, $0x1, v13;
	v9 =	vnsel vm5, $0xFF800000, v9  }
0x85: {  	v7 =	vld [tilespmem:s16+$0x8000];
	vm5 =	vmneg vm3;
	v11 =	vsub.f32 v15, v2;
	v8 =	vnsel vm4, $0x40000000, v8  }
0x86: {  	vm4 =	vgt.f32 v9, v16;
	vm6 =	veq.f32 v9, v16;
	vm2 =	vmand vm5, vm2  }
0x87: {  	vm5 =	veq.f32 v9, v6;
	vm7 =	vgt.u32 v8, $0x2;
	v11 =	vand.u32 $0x7FFFFFFF, v11  }
0x88: {  	vm2 =	vmand vm2, vm6;
	vm6 =	vgt.f32 v9, v6;
	v11 =	vadd.f32 $1.000000000e+00, v11  }
0x89: {  	v10 =	vsub.f32 v10, v5;
	vm5 =	vmand vm7, vm5;
	vm4 =	vmor vm4, vm2  }
0x8a: {  	v7 =	vsub.f32 v4, v7;
	vm2 =	vmor vm6, vm5;
	(erf) = vrcp.f32 v11  }
0x8b: {  	v10 =	vand.u32 $0x7FFFFFFF, v10;
	v17 =	vsel vm4, v9, v16;
	v16 =	vsel vm4, v16, v9  }
0x8c: {  	v14 =	vadd.f32 $-1.000000000e+00, v10;
	v11 =	vsel vm3, $0x1, v13;
	v7 =	vmax.f32 v7, $0.0e+00;
	v13 =	vpop (erf)  }
0x8d: {  	vm5 =	vlt.f32 v10, $5.000000000e-01;
	v16 =	vsel vm2, v16, v6;
	v7 =	vmul.f32 $1.000000010e-01, v7;
	v15 =	vpop (erf)  }
0x8e: {  	v10 =	vand.u32 $0x7FFFFFFF, v14;
	v13 =	vmul.f32 $1.250000000e+00, v13;
	v15 =	vmul.f32 $7.500000000e-01, v15  }
0x8f: {  	vm3 =	veq.f32 v9, v9;
	v14 =	vld [tilespmem:s16+$0x14000];
	vm6 =	vlt.f32 v10, $5.000000000e-01;
	v7 =	vmin.f32 v7, $2.000000000e+00  }
0x90: {  	v19 =	vsel vm6, $0x3DCCCCCD, v0;
	v7 =	vmul.f32 $2.500000000e-01, v7;
	v10 =	vadd.f32 v15, v13  }
0x91: {  	v6 =	vsel vm2, v6, v9;
	vm3 =	vmand vm3, vm0;
	v15 =	vsel vm5, $0x3E4CCCCD, v0  }
0x92: {  	v6 =	vnsel vm3, $0xFF800000, v6;
	v15 =	vadd.f32 v19, v15;
	v7 =	vadd.f32 v10, v7;
	v10 =	vld [tilespmem:s1+$0x10200]  }
0x93: {  	v13 =	vsel vm4, $0x2, v11;
	v11 =	vnsel vm4, $0x2, v11;
	vm4 =	vle.f32 v12, $1.200000000e+02;
	v19 =	vpop (erf)  }
0x94: {  	s19 =	sor.u32 $0x200, s1;
	vm5 =	vgt.f32 v14, $5.000000000e-01;
	v7 =	vadd.f32 v15, v7;
	v9 =	vmul.f32 $1.500000060e-01, v19  }
0x95: {  	v11 =	vsel vm2, v11, v8;
	vm4 =	vmor vm1, vm4;
	v8 =	vnsel vm2, $0x2, v8;
	v15 =	vld [tilespmem:s19+$0x0]  }
0x96: {  	vm2 =	vmand vm5, vm4;
	v7 =	vadd.f32 v7, v9;
	v9 =	vadd.f32 $1.000000000e+00, v18  }
0x97: {  	v8 =	vnsel vm3, $0x40000000, v8;
	vm3 =	vgt.u32 v13, $0x3;
	v12 =	vadd.f32 $1.000000000e+00, v10  }
0x98: {  	vm6 =	vgt.u32 v11, $0x3;
	(erf) = vrcp.f32 v9;
	v7 =	vnsel vm2, $0xFF800000, v7  }
0x99: {  	vm8 =	vgt.u32 v8, $0x3;
	(erf) = vrcp.f32 v12;
	vm2 =	veq.f32 v7, v17;
	v12 =	vld [tilespmem:s1+$0xC200]  }
0x9a: {  	v9 =	vld [tilespmem:s1+$0x8200];
	v14 =	vsub.f32 v15, v2;
	vm4 =	vgt.f32 v7, v17;
	vm5 =	veq.f32 v7, v16  }
0x9b: {  	vm7 =	veq.f32 v7, v6;
	vm2 =	vmand vm3, vm2;
	vm3 =	vgt.f32 v7, v16  }
0x9c: {  	vm5 =	vmand vm6, vm5;
	vm6 =	vgt.f32 v7, v6;
	v14 =	vand.u32 $0x7FFFFFFF, v14  }
0x9d: {  	vm7 =	vmand vm8, vm7;
	vm14 =	vmor vm4, vm2;
	v14 =	vadd.f32 $1.000000000e+00, v14  }
0x9e: {  	vm4 =	vmor vm3, vm5;
	vm2 =	vmor vm6, vm7;
	v12 =	vsub.f32 v12, v5  }
0x9f: {  	vm3 =	veq.f32 v7, v7;
	v9 =	vsub.f32 v4, v9;
	(erf) = vrcp.f32 v14  }
0xa0: {  	vm3 =	vmand vm3, vm0;
	v19 =	vsel vm14, v7, v17;
	v12 =	vand.u32 $0x7FFFFFFF, v12  }
0xa1: {  	v17 =	vsel vm14, v17, v7;
	v9 =	vmax.f32 v9, $0.0e+00;
	v14 =	vpop (erf);
	v15 =	vadd.f32 $-1.000000000e+00, v12  }
0xa2: {  	v21 =	vnsel vm4, $0x3, v11;
	v9 =	vmul.f32 $1.000000010e-01, v9;
	vm5 =	vlt.f32 v12, $5.000000000e-01;
	v18 =	vpop (erf)  }
0xa3: {  	v14 =	vmul.f32 $1.250000000e+00, v14;
	v18 =	vmul.f32 $7.500000000e-01, v18;
	v12 =	vand.u32 $0x7FFFFFFF, v15  }
0xa4: {  	v17 =	vsel vm4, v17, v16;
	v9 =	vmin.f32 v9, $2.000000000e+00;
	vm6 =	vlt.f32 v12, $5.000000000e-01  }
0xa5: {  	v9 =	vmul.f32 $2.500000000e-01, v9;
	v12 =	vadd.f32 v18, v14;
	v20 =	vsel vm6, $0x3DCCCCCD, v0  }
0xa6: {  	v16 =	vsel vm4, v16, v7;
	v15 =	vld [tilespmem:s1+$0x14200];
	v14 =	vsel vm14, $0x3, v13;
	v18 =	vsel vm5, $0x3E4CCCCD, v0  }
0xa7: {  	v13 =	vnsel vm14, $0x3, v13;
	v18 =	vadd.f32 v20, v18;
	v9 =	vadd.f32 v12, v9;
	v12 =	vld [tilespmem:s1+$0x4280]  }
0xa8: {  	v11 =	vsel vm4, v13, v11;
	v13 =	vsel vm2, v16, v6;
	v16 =	vsel vm2, v21, v8;
	v20 =	vpop (erf)  }
0xa9: {  	vm4 =	vle.f32 v10, $1.200000000e+02;
	v9 =	vadd.f32 v18, v9;
	v18 =	vmul.f32 $1.500000060e-01, v20  }
0xaa: {  	v6 =	vsel vm2, v6, v7;
	v8 =	vnsel vm2, $0x3, v8;
	vm4 =	vmor vm1, vm4  }
0xab: {  	v6 =	vnsel vm3, $0xFF800000, v6;
	vm5 =	vgt.f32 v15, $5.000000000e-01;
	v7 =	vadd.f32 v9, v18;
	v9 =	vld [tilespmem:s1+$0x10280]  }
0xac: {  	v8 =	vnsel vm3, $0x40000000, v8;
	vm2 =	vmand vm5, vm4;
	v10 =	vsub.f32 v12, v3  }
0xad: {  	s20 =	sor.u32 $0x280, s1;
	vm3 =	vgt.u32 v14, $0x4;
	vm7 =	vgt.u32 v16, $0x4;
	v7 =	vnsel vm2, $0xFF800000, v7  }
0xae: {  	vm5 =	vgt.u32 v11, $0x4;
	v12 =	vld [tilespmem:s20+$0x0];
	v10 =	vand.u32 $0x7FFFFFFF, v10;
	vm2 =	veq.f32 v7, v19  }
0xaf: {  	vm4 =	vgt.f32 v7, v19;
	vm6 =	veq.f32 v7, v13;
	v10 =	vadd.f32 $1.000000000e+00, v10  }
0xb0: {  	vm15 =	veq.f32 v7, v7;
	vm2 =	vmand vm3, vm2;
	v15 =	vadd.f32 $1.000000000e+00, v9  }
0xb1: {  	vm3 =	veq.f32 v7, v17;
	vm7 =	vmand vm7, vm6;
	(erf) = vrcp.f32 v10;
	v10 =	vld [tilespmem:s1+$0x8280]  }
0xb2: {  	vm4 =	vmor vm4, vm2;
	vm2 =	vgt.f32 v7, v17;
	(erf) = vrcp.f32 v15;
	v15 =	vld [tilespmem:s1+$0xC280]  }
0xb3: {  	vm3 =	vmand vm5, vm3;
	vm5 =	vgt.f32 v7, v13;
	v12 =	vsub.f32 v12, v2  }
0xb4: {  	vm6 =	vmor vm2, vm3;
	vm2 =	vmor vm5, vm7;
	vm3 =	veq.f32 v7, v6  }
0xb5: {  	vm5 =	vgt.u32 v8, $0x4;
	vm7 =	vgt.f32 v7, v6;
	v12 =	vand.u32 $0x7FFFFFFF, v12  }
0xb6: {  	v18 =	vsel vm4, $0x4, v14;
	v14 =	vnsel vm4, $0x4, v14;
	v12 =	vadd.f32 $1.000000000e+00, v12  }
0xb7: {  	vm3 =	vmand vm5, vm3;
	v10 =	vsub.f32 v4, v10;
	v15 =	vsub.f32 v15, v5  }
0xb8: {  	v14 =	vsel vm6, v14, v11;
	vm5 =	vmor vm7, vm3;
	(erf) = vrcp.f32 v12  }
0xb9: {  	v12 =	vsel vm4, v7, v19;
	v10 =	vmax.f32 v10, $0.0e+00;
	v15 =	vand.u32 $0x7FFFFFFF, v15  }
0xba: {  	v19 =	vsel vm4, v19, v7;
	v10 =	vmul.f32 $1.000000010e-01, v10;
	v20 =	vpop (erf);
	v21 =	vadd.f32 $-1.000000000e+00, v15  }
0xbb: {  	v19 =	vsel vm6, v19, v17;
	vm7 =	vlt.f32 v15, $5.000000000e-01;
	v22 =	vpop (erf);
	v20 =	vmul.f32 $1.250000000e+00, v20  }
0xbc: {  	v10 =	vmin.f32 v10, $2.000000000e+00;
	v22 =	vmul.f32 $7.500000000e-01, v22;
	v15 =	vand.u32 $0x7FFFFFFF, v21  }
0xbd: {  	v17 =	vsel vm6, v17, v7;
	v10 =	vmul.f32 $2.500000000e-01, v10;
	vm12 =	vlt.f32 v15, $5.000000000e-01  }
0xbe: {  	v21 =	vsel vm7, $0x3E4CCCCD, v0;
	v15 =	vadd.f32 v22, v20;
	v22 =	vsel vm12, $0x3DCCCCCD, v0  }
0xbf: {  	v21 =	vadd.f32 v22, v21;
	v22 =	vsel vm2, v17, v13;
	v13 =	vsel vm2, v13, v7  }
0xc0: {  	v20 =	vld [tilespmem:s1+$0x14280];
	v13 =	vsel vm5, v13, v6;
	v6 =	vsel vm5, v6, v7;
	v7 =	vmov s29  }
0xc1: {  	v11 =	vnsel vm6, $0x4, v11;
	vm3 =	vmand vm15, vm0;
	v10 =	vadd.f32 v15, v10  }
0xc2: {  	v11 =	vsel vm2, v11, v16;
	v24 =	vnsel vm3, $0xFF800000, v6;
	v15 =	vpop (erf)  }
0xc3: {  	v6 =	vnsel vm5, $0x4, v8;
	v10 =	vadd.f32 v21, v10;
	v15 =	vmul.f32 $1.500000060e-01, v15  }
0xc4: {  	s5 =	simm.s32 $0x0;
	vm4 =	vle.f32 v9, $1.200000000e+02;
	v27 =	vnsel vm3, $0x40000000, v6;
	v6 =	vmov s30  }
0xc5: {  	vm4 =	vmor vm1, vm4;
	vm6 =	vgt.f32 v20, $5.000000000e-01;
	v9 =	vadd.f32 v10, v15;
	v20 =	vld.idx.msk [tilespmem:v7+s5+$0x80 ss:$0x1], $0xffff  }
0xc6: {  	v10 =	vnsel vm2, $0x4, v16;
	vm2 =	vmand vm6, vm4;
	vm4 =	vgt.u32 v18, $0x5;
	v29 =	vld.idx.msk [tilespmem:v7+s5+$0x0 ss:$0x1], $0xffff  }
0xc7: {  	v23 =	vsel vm5, v10, v8;
	v8 =	vmov s25;
	v26 =	vnsel vm2, $0xFF800000, v9  }
0xc8: {  	vm2 =	veq.f32 v26, v12;
	vm3 =	vgt.f32 v26, v12;
	vm13 =	vgt.f32 v26, v24  }
0xc9: {  	v25 =	vld.idx.msk [tilespmem:v6+s5+$0x80 ss:$0x1], $0xffff;
	vm9 =	veq.f32 v26, v26;
	vm2 =	vmand vm4, vm2;
	vm4 =	vgt.f32 v26, v19  }
0xca: {  	vm6 =	vmor vm3, vm2;
	vm2 =	veq.f32 v26, v19;
	vm3 =	vgt.u32 v14, $0x5  }
0xcb: {  	v20 =	vsub.f32 v20, v3;
	v29 =	vsub.f32 v29, v3;
	vm2 =	vmand vm3, vm2  }
0xcc: {  	vm3 =	vgt.u32 v11, $0x5;
	v15 =	vsel vm6, v26, v12;
	v17 =	vsel vm6, $0x5, v18  }
0xcd: {  	v10 =	vld.idx.msk [tilespmem:v6+s5+$0x0 ss:$0x1], $0xffff;
	v9 =	vsel vm6, v12, v26;
	v12 =	vnsel vm6, $0x5, v18;
	vm7 =	vmor vm4, vm2  }
0xce: {  	vm2 =	veq.f32 v26, v22;
	vm4 =	vgt.f32 v26, v22;
	v25 =	vsub.f32 v25, v2  }
0xcf: {  	v20 =	vand.u32 $0x7FFFFFFF, v20;
	v29 =	vand.u32 $0x7FFFFFFF, v29;
	vm2 =	vmand vm3, vm2  }
0xd0: {  	vm3 =	vgt.u32 v23, $0x5;
	v16 =	vsel vm7, v9, v19;
	v18 =	vsel vm7, v12, v14  }
0xd1: {  	v12 =	vsel vm7, v19, v26;
	v14 =	vnsel vm7, $0x5, v14;
	v9 =	vmov s28  }
0xd2: {  	v28 =	vld.idx.msk [tilespmem:v8+s5+$0x0 ss:$0x1], $0xffff;
	v19 =	vsub.f32 v10, v2;
	v10 =	vmov s26;
	v20 =	vadd.f32 $1.000000000e+00, v20  }
0xd3: {  	v29 =	vadd.f32 $1.000000000e+00, v29;
	vm5 =	vmor vm4, vm2;
	vm2 =	veq.f32 v26, v13  }
0xd4: {  	vm4 =	vgt.f32 v26, v13;
	vm2 =	vmand vm3, vm2;
	v21 =	vsel vm5, v12, v22;
	v12 =	vld.idx.msk [tilespmem:v8+s5+$0xFFFFFF80 ss:$0x1], $0xffff  }
0xd5: {  	v22 =	vsel vm5, v22, v26;
	v30 =	vand.u32 $0x7FFFFFFF, v19;
	vm3 =	vmor vm4, vm2  }
0xd6: {  	v25 =	vand.u32 $0x7FFFFFFF, v25;
	v19 =	vsel vm3, v22, v13;
	v22 =	vadd.f32 $1.000000000e+00, v30  }
0xd7: {  	v14 =	vsel vm5, v14, v11;
	v11 =	vnsel vm5, $0x5, v11;
	v30 =	vadd.f32 $1.000000000e+00, v28  }
0xd8: {  	v25 =	vadd.f32 $1.000000000e+00, v25;
	vm2 =	veq.f32 v26, v24;
	v31 =	vld.idx.msk [tilespmem:v9+s5+$0x80 ss:$0x1], $0xffff;
	(erf) = vrcp.f32 v22  }
0xd9: {  	vm4 =	vgt.u32 v27, $0x5;
	v32 =	vld.idx.msk [tilespmem:v10+s5+$0x80 ss:$0x1], $0xffff;
	v22 =	vadd.f32 $1.000000000e+00, v12;
	(erf) = vrcp.f32 v30  }
0xda: {  	vm2 =	vmand vm4, vm2;
	v13 =	vsel vm3, v13, v26;
	v30 =	vld.idx.msk [tilespmem:v10+s5+$0x0 ss:$0x1], $0xffff;
	(erf) = vrcp.f32 v20  }
0xdb: {  	vm4 =	vmor vm13, vm2;
	v20 =	vsel vm3, v11, v23;
	v11 =	vld.idx.msk [tilespmem:v9+s5+$0x0 ss:$0x1], $0xffff;
	(erf) = vrcp.f32 v22  }
0xdc: {  	vm2 =	vmand vm9, vm0;
	v22 =	vnsel vm3, $0x5, v23;
	(erf) = vrcp.f32 v25  }
0xdd: {  	v25 =	vsel vm4, v13, v24;
	v22 =	vsel vm4, v22, v27;
	v13 =	vsel vm4, v24, v26  }
0xde: {  	v24 =	vnsel vm4, $0x5, v27;
	v26 =	vsub.f32 v4, v31;
	(erf) = vrcp.f32 v29  }
0xdf: {  	v23 =	vnsel vm2, $0xFF800000, v13;
	v29 =	vnsel vm2, $0x40000000, v24;
	v13 =	vsub.f32 v32, v5  }
0xe0: {  	v24 =	vmax.f32 v26, $0.0e+00;
	v26 =	vsub.f32 v30, v5;
	v27 =	vsub.f32 v4, v11  }
0xe1: {  	v11 =	vmov s31;
	v24 =	vmul.f32 $1.000000010e-01, v24;
	v13 =	vand.u32 $0x7FFFFFFF, v13  }
0xe2: {  	v26 =	vand.u32 $0x7FFFFFFF, v26;
	v31 =	vadd.f32 $-1.000000000e+00, v13;
	vm3 =	vlt.f32 v13, $5.000000000e-01  }
0xe3: {  	v27 =	vmax.f32 v27, $0.0e+00;
	v24 =	vmin.f32 v24, $2.000000000e+00;
	vm2 =	vlt.f32 v26, $5.000000000e-01  }
0xe4: {  	v26 =	vadd.f32 $-1.000000000e+00, v26;
	v39 =	vsel vm3, $0x3E4CCCCD, v0;
	vm3 =	vle.f32 v28, $1.200000000e+02  }
0xe5: {  	v30 =	vpop (erf);
	v27 =	vmul.f32 $1.000000010e-01, v27;
	v13 =	vsel vm2, $0x3E4CCCCD, v0;
	v31 =	vand.u32 $0x7FFFFFFF, v31  }
0xe6: {  	v63 =	vpop (erf);
	v24 =	vmul.f32 $2.500000000e-01, v24;
	v30 =	vmul.f32 $1.500000060e-01, v30;
	vm3 =	vmor vm1, vm3;
	v37 =	vld.idx.msk [tilespmem:v11+s5+$0xFFFFFF80 ss:$0x1], $0xffff  }
0xe7: {  	v33 =	vpop (erf);
	vm2 =	vlt.f32 v31, $5.000000000e-01;
	v26 =	vand.u32 $0x7FFFFFFF, v26;
	v32 =	vmul.f32 $7.500000000e-01, v63;
	v38 =	vld.idx.msk [tilespmem:v11+s5+$0x0 ss:$0x1], $0xffff;
	s5 =	simm.s32 $0x100  }
0xe8: {  	v34 =	vpop (erf);
	v27 =	vmin.f32 v27, $2.000000000e+00;
	v36 =	vsel vm2, $0x3DCCCCCD, v0;
	v33 =	vmul.f32 $1.250000000e+00, v33;
	v41 =	vld.idx.msk [tilespmem:v9+s5+$0x80 ss:$0x1], $0xffff  }
0xe9: {  	vm2 =	vlt.f32 v26, $5.000000000e-01;
	v31 =	vpop (erf);
	v27 =	vmul.f32 $2.500000000e-01, v27;
	v34 =	vmul.f32 $7.500000000e-01, v34;
	v43 =	vld.idx.msk [tilespmem:v6+s5+$0x0 ss:$0x1], $0xffff  }
0xea: {  	v40 =	vadd.f32 v36, v39;
	v42 =	vsel vm2, $0x3DCCCCCD, v0;
	v28 =	vld.idx.msk [tilespmem:v7+s5+$0x0 ss:$0x1], $0xffff;
	v35 =	vpop (erf);
	v32 =	vadd.f32 v32, v33  }
0xeb: {  	vm2 =	vle.f32 v12, $1.200000000e+02;
	v31 =	vmul.f32 $1.500000060e-01, v31;
	v35 =	vmul.f32 $1.250000000e+00, v35  }
0xec: {  	v45 =	vld.idx.msk [tilespmem:v10+s5+$0x0 ss:$0x1], $0xffff;
	v13 =	vadd.f32 v42, v13;
	vm2 =	vmor vm1, vm2;
	v24 =	vadd.f32 v32, v24  }
0xed: {  	v26 =	vadd.f32 v34, v35;
	vm4 =	vgt.f32 v37, $5.000000000e-01;
	vm5 =	vgt.f32 v38, $5.000000000e-01  }
0xee: {  	v12 =	vld.idx.msk [tilespmem:v8+s5+$0x0 ss:$0x1], $0xffff;
	v24 =	vadd.f32 v40, v24;
	v44 =	vsub.f32 v4, v41;
	vm3 =	vmand vm5, vm3  }
0xef: {  	v33 =	vsub.f32 v43, v2;
	vm2 =	vmand vm4, vm2;
	v28 =	vsub.f32 v28, v3  }
0xf0: {  	v26 =	vadd.f32 v26, v27;
	v27 =	vld.idx.msk [tilespmem:v6+s5+$0x80 ss:$0x1], $0xffff;
	v24 =	vadd.f32 v24, v31;
	v32 =	vmax.f32 v44, $0.0e+00  }
0xf1: {  	v31 =	vld.idx.msk [tilespmem:v10+s5+$0x80 ss:$0x1], $0xffff;
	v33 =	vand.u32 $0x7FFFFFFF, v33;
	v49 =	vand.u32 $0x7FFFFFFF, v28;
	v28 =	vsub.f32 v45, v5  }
0xf2: {  	v13 =	vadd.f32 v13, v26;
	v26 =	vld.idx.msk [tilespmem:v7+s5+$0x80 ss:$0x1], $0xffff;
	v32 =	vmul.f32 $1.000000010e-01, v32;
	v33 =	vadd.f32 $1.000000000e+00, v33  }
0xf3: {  	v48 =	vadd.f32 $1.000000000e+00, v12;
	v46 =	vnsel vm3, $0xFF800000, v24;
	v52 =	vand.u32 $0x7FFFFFFF, v28  }
0xf4: {  	v30 =	vadd.f32 v13, v30;
	v32 =	vmin.f32 v32, $2.000000000e+00;
	(erf) = vrcp.f32 v33  }
0xf5: {  	v24 =	vld.idx.msk [tilespmem:v9+s5+$0x0 ss:$0x1], $0xffff;
	vm5 =	vlt.f32 v52, $5.000000000e-01;
	v39 =	vadd.f32 $-1.000000000e+00, v52;
	v27 =	vsub.f32 v27, v2  }
0xf6: {  	(erf) = vrcp.f32 v48;
	v30 =	vnsel vm2, $0xFF800000, v30;
	v31 =	vsub.f32 v31, v5  }
0xf7: {  	v39 =	vand.u32 $0x7FFFFFFF, v39;
	v26 =	vsub.f32 v26, v3;
	vm3 =	vgt.f32 v30, v15  }
0xf8: {  	vm2 =	vgt.f32 v30, v16;
	v27 =	vand.u32 $0x7FFFFFFF, v27;
	vm7 =	vgt.f32 v30, v25  }
0xf9: {  	s6 =	simm.s32 $0x6;
	v13 =	vld.idx.msk [tilespmem:v8+s5+$0xFFFFFF80 ss:$0x1], $0xffff;
	vm6 =	vgt.f32 v30, v21;
	vm14 =	vgt.f32 v30, v19;
	vm15 =	vgt.f32 v30, v23  }
0xfa: {  	v50 =	vnsel vm2, s6, v18;
	v51 =	vsel vm2, v16, v30;
	v24 =	vsub.f32 v4, v24  }
0xfb: {  	v28 =	vand.u32 $0x7FFFFFFF, v31;
	v31 =	vnsel vm7, s6, v22;
	v41 =	vsel vm6, v21, v30  }
0xfc: {  	v56 =	vsel vm7, v25, v30;
	v57 =	vsel vm3, v30, v15;
	v42 =	vnsel vm14, s6, v20  }
0xfd: {  	v43 =	vnsel vm6, s6, v14;
	v58 =	vsel vm3, s6, v17;
	v17 =	vnsel vm3, s6, v17  }
0xfe: {  	v15 =	vsel vm3, v15, v30;
	v47 =	vadd.f32 $1.000000000e+00, v13;
	v26 =	vand.u32 $0x7FFFFFFF, v26  }
0xff: {  	v53 =	vadd.f32 $-1.000000000e+00, v28;
	vm4 =	vlt.f32 v28, $5.000000000e-01;
	v21 =	vsel vm6, v51, v21  }
0x100: {  	v22 =	vsel vm7, v42, v22;
	v16 =	vsel vm2, v15, v16;
	v26 =	vadd.f32 $1.000000000e+00, v26  }
0x101: {  	v23 =	vsel vm15, v56, v23;
	v59 =	vsel vm14, v41, v19;
	v14 =	vsel vm6, v50, v14  }
0x102: {  	v24 =	vmax.f32 v24, $0.0e+00;
	(erf) = vrcp.f32 v26;
	v26 =	vadd.f32 $1.000000000e+00, v27  }
0x103: {  	vm6 =	vgt.f32 v46, v23;
	v40 =	vmul.f32 $1.000000010e-01, v24;
	(erf) = vrcp.f32 v47  }
0x104: {  	v28 =	vand.u32 $0x7FFFFFFF, v53;
	(erf) = vrcp.f32 v26;
	v26 =	vsel vm14, v19, v30  }
0x105: {  	v24 =	vsel vm5, $0x3E4CCCCD, v0;
	vm5 =	vlt.f32 v28, $5.000000000e-01;
	v26 =	vsel vm7, v26, v25  }
0x106: {  	v25 =	vsel vm15, v31, v29;
	v31 =	vsel vm2, v17, v18;
	v17 =	vadd.f32 $1.000000000e+00, v49  }
0x107: {  	v27 =	vmul.f32 $2.500000000e-01, v32;
	v54 =	vmin.f32 v40, $2.000000000e+00;
	v55 =	vsel vm5, $0x3DCCCCCD, v0  }
0x108: {  	vm5 =	vgt.f32 v46, v21;
	v15 =	vpop (erf);
	v28 =	vmul.f32 $2.500000000e-01, v54;
	(erf) = vrcp.f32 v17  }
0x109: {  	s21 =	simm.s32 $0x7;
	v30 =	vsel vm14, v43, v20;
	v19 =	vsel vm4, $0x3E4CCCCD, v0;
	vm4 =	vgt.f32 v46, v59  }
0x10a: {  	v37 =	vnsel vm5, s21, v14;
	vm2 =	vgt.f32 v46, v16;
	vm7 =	vgt.f32 v46, v57  }
0x10b: {  	v29 =	vmul.f32 $1.500000060e-01, v15;
	v33 =	vadd.f32 v55, v19;
	v36 =	vsel vm7, v57, v46  }
0x10c: {  	v38 =	vsel vm4, v59, v46;
	v44 =	vnsel vm4, s21, v30;
	v15 =	vsel vm7, v46, v57  }
0x10d: {  	v32 =	vpop (erf);
	v34 =	vnsel vm7, s21, v58;
	v18 =	vsel vm7, s21, v58;
	vm3 =	vgt.f32 v46, v26  }
0x10e: {  	v17 =	vsel vm2, v16, v46;
	v19 =	vsel vm2, v36, v16;
	v16 =	vsel vm3, v26, v46;
	v36 =	vpop (erf)  }
0x10f: {  	v60 =	vnsel vm3, s21, v22;
	v22 =	vsel vm3, v44, v22;
	v20 =	vsel vm5, v17, v21;
	v61 =	vpop (erf)  }
0x110: {  	v17 =	vnsel vm2, s21, v31;
	v21 =	vsel vm5, v21, v46;
	v16 =	vsel vm6, v16, v23;
	v62 =	vpop (erf)  }
0x111: {  	v23 =	vld.idx.msk [tilespmem:v11+s5+$0xFFFFFF80 ss:$0x1], $0xffff;
	v14 =	vsel vm5, v17, v14;
	v17 =	vsel vm6, v60, v25;
	v41 =	vmul.f32 $7.500000000e-01, v61;
	v63 =	vpop (erf)  }
0x112: {  	s4 =	simm.s32 $0x800;
	s3 =	simm.s32 $0x9;
	s21 =	simm.s32 $0x9;
	v25 =	vld.idx.msk [tilespmem:v11+s5+$0x0 ss:$0x1], $0xffff;
	v21 =	vsel vm4, v21, v59;
	v35 =	vmul.f32 $1.500000060e-01, v62;
	v40 =	vmul.f32 $1.250000000e+00, v63  }
.LBB2_5:
0x113: {  	s6 =	smov.u32 s4  }
0x114: {  	s5 =	sshra.s32 s4, $0x2;
	v36 =	vmul.f32 $1.250000000e+00, v36;
	v32 =	vmul.f32 $7.500000000e-01, v32;
	s3 =	sadd.s32 $0x2, s3;
	v31 =	vsel vm2, v34, v31;
	s6 =	sadd.s32 $0x400, s4  }
0x115: {  	p0 =	sne.s32 s4, $0xF000;
	vm2 =	vlt.f32 v39, $5.000000000e-01;
	v30 =	vsel vm4, v37, v30;
	v39 =	vadd.f32 v41, v40;
	v34 =	vld.idx.msk [tilespmem:v9+s5+$0x80 ss:$0x1], $0xffff  }
0x116: {  	v26 =	vsel vm3, v38, v26;
	v40 =	vsel vm2, $0x3DCCCCCD, v0;
	v32 =	vadd.f32 v32, v36;
	v37 =	vld.idx.msk [tilespmem:v6+s5+$0x0 ss:$0x1], $0xffff  }
0x117: {  	vm2 =	vle.f32 v13, $1.200000000e+02;
	v24 =	vadd.f32 v40, v24;
	v28 =	vadd.f32 v39, v28;
	v36 =	vld.idx.msk [tilespmem:v6+s5+$0x80 ss:$0x1], $0xffff  }
0x118: {  	vm3 =	vle.f32 v12, $1.200000000e+02;
	vm2 =	vmor vm1, vm2;
	v13 =	vadd.f32 v32, v27;
	v12 =	vld.idx.msk [tilespmem:v8+s5+$0x0 ss:$0x1], $0xffff  }
0x119: {  	vm3 =	vmor vm1, vm3;
	v24 =	vadd.f32 v24, v28;
	v27 =	vld.idx.msk [tilespmem:v7+s5+$0x80 ss:$0x1], $0xffff  }
0x11a: {  	vm4 =	vgt.f32 v23, $5.000000000e-01;
	vm5 =	vgt.f32 v25, $5.000000000e-01;
	v23 =	vadd.f32 v33, v13;
	v28 =	vld.idx.msk [tilespmem:v7+s5+$0x0 ss:$0x1], $0xffff  }
0x11b: {  	vm3 =	vmand vm5, vm3;
	v25 =	vsub.f32 v4, v34;
	v24 =	vadd.f32 v24, v29;
	v13 =	vld.idx.msk [tilespmem:v8+s5+$0xFFFFFF80 ss:$0x1], $0xffff  }
0x11c: {  	vm2 =	vmand vm4, vm2;
	v29 =	vsub.f32 v37, v2;
	v23 =	vadd.f32 v23, v35;
	v32 =	vld.idx.msk [tilespmem:v10+s5+$0x80 ss:$0x1], $0xffff  }
0x11d: {  	v34 =	vsub.f32 v36, v2;
	v25 =	vmax.f32 v25, $0.0e+00;
	v35 =	vnsel vm2, $0xFF800000, v24;
	v33 =	vld.idx.msk [tilespmem:v10+s5+$0x0 ss:$0x1], $0xffff  }
0x11e: {  	v29 =	vand.u32 $0x7FFFFFFF, v29;
	v36 =	vmul.f32 $1.000000010e-01, v25;
	v38 =	vnsel vm3, $0xFF800000, v23;
	v24 =	vld.idx.msk [tilespmem:v9+s5+$0x0 ss:$0x1], $0xffff  }
0x11f: {  	vm3 =	vgt.f32 v35, v15;
	v29 =	vadd.f32 $1.000000000e+00, v29;
	v27 =	vsub.f32 v27, v3;
	v23 =	vld.idx.msk [tilespmem:v11+s5+$0xFFFFFF80 ss:$0x1], $0xffff  }
0x120: {  	vm2 =	vgt.f32 v35, v19;
	v28 =	vsub.f32 v28, v3;
	v36 =	vmin.f32 v36, $2.000000000e+00;
	v25 =	vld.idx.msk [tilespmem:v11+s5+$0x0 ss:$0x1], $0xffff  }
0x121: {  	s4 =	sadd.s32 $0xFFFFFFFF, s21;
	v39 =	vadd.f32 $1.000000000e+00, v12;
	v37 =	vadd.f32 $1.000000000e+00, v13;
	(erf) = vrcp.f32 v29  }
0x122: {  	v40 =	vnsel vm2, s4, v31;
	v27 =	vand.u32 $0x7FFFFFFF, v27;
	v29 =	vand.u32 $0x7FFFFFFF, v28  }
0x123: {  	v27 =	vadd.f32 $1.000000000e+00, v27;
	v28 =	vsub.f32 v33, v5;
	v33 =	vsel vm2, v19, v35  }
0x124: {  	v32 =	vsub.f32 v32, v5;
	v24 =	vsub.f32 v4, v24;
	(erf) = vrcp.f32 v39  }
0x125: {  	vm7 =	vgt.f32 v35, v26;
	v39 =	vand.u32 $0x7FFFFFFF, v28;
	v28 =	vand.u32 $0x7FFFFFFF, v34  }
0x126: {  	v32 =	vand.u32 $0x7FFFFFFF, v32;
	v34 =	vnsel vm7, s4, v22;
	v24 =	vmax.f32 v24, $0.0e+00  }
0x127: {  	vm5 =	vgt.f32 v35, v20;
	v41 =	vadd.f32 $-1.000000000e+00, v32;
	vm6 =	vlt.f32 v39, $5.000000000e-01  }
0x128: {  	v43 =	vsel vm5, v20, v35;
	vm4 =	vlt.f32 v32, $5.000000000e-01;
	v44 =	vmul.f32 $1.000000010e-01, v24  }
0x129: {  	v24 =	vsel vm6, $0x3E4CCCCD, v0;
	v32 =	vand.u32 $0x7FFFFFFF, v41;
	(erf) = vrcp.f32 v27  }
0x12a: {  	v33 =	vsel vm5, v33, v20;
	vm6 =	vlt.f32 v32, $5.000000000e-01;
	v41 =	vmin.f32 v44, $2.000000000e+00;
	v42 =	vpop (erf)  }
0x12b: {  	vm8 =	vgt.f32 v35, v21;
	v44 =	vsel vm6, $0x3DCCCCCD, v0;
	(erf) = vrcp.f32 v37  }
0x12c: {  	vm9 =	vgt.f32 v35, v16;
	v20 =	vadd.f32 $1.000000000e+00, v28;
	v37 =	vsel vm7, v26, v35  }
0x12d: {  	v45 =	vsel vm3, v35, v15;
	v46 =	vnsel vm8, s4, v30;
	vm6 =	vgt.f32 v38, v33;
	v32 =	vpop (erf)  }
0x12e: {  	v28 =	vsel vm8, v21, v35;
	(erf) = vrcp.f32 v20;
	v20 =	vnsel vm5, s4, v14  }
0x12f: {  	v47 =	vsel vm3, s4, v18;
	v27 =	vmul.f32 $2.500000000e-01, v36;
	v26 =	vsel vm7, v28, v26  }
0x130: {  	v18 =	vnsel vm3, s4, v18;
	v17 =	vsel vm9, v34, v17;
	v28 =	vmul.f32 $2.500000000e-01, v41  }
0x131: {  	v15 =	vsel vm3, v15, v35;
	v31 =	vsel vm2, v18, v31;
	v22 =	vsel vm7, v46, v22  }
0x132: {  	v18 =	vadd.f32 $1.000000000e+00, v29;
	v19 =	vsel vm2, v15, v19;
	v16 =	vsel vm9, v37, v16;
	v36 =	vpop (erf)  }
0x133: {  	vm2 =	vgt.f32 v38, v19;
	v21 =	vsel vm8, v43, v21;
	v30 =	vsel vm8, v20, v30  }
0x134: {  	v15 =	vsel vm2, v19, v38;
	vm7 =	vgt.f32 v38, v45;
	(erf) = vrcp.f32 v18;
	v41 =	vpop (erf)  }
0x135: {  	v29 =	vmul.f32 $1.500000060e-01, v42;
	v35 =	vnsel vm2, s21, v31;
	v20 =	vsel vm6, v15, v33  }
0x136: {  	v34 =	vnsel vm7, s21, v47;
	v14 =	vsel vm5, v40, v14;
	v15 =	vsel vm7, v38, v45  }
0x137: {  	v42 =	vsel vm6, v33, v38;
	vm5 =	vgt.f32 v38, v16;
	v18 =	vsel vm7, s21, v47;
	v40 =	vpop (erf)  }
0x138: {  	vm3 =	vgt.f32 v38, v26;
	v37 =	vsel vm7, v45, v38;
	v33 =	vsel vm4, $0x3E4CCCCD, v0  }
0x139: {  	v19 =	vsel vm2, v37, v19;
	v43 =	vsel vm3, v26, v38;
	v33 =	vadd.f32 v44, v33  }
.Ltmp1:
0x13a: {  	vm4 =	vgt.f32 v38, v21;
	v37 =	vnsel vm6, s21, v14;
	v44 =	vnsel vm3, s21, v22;
	(pc) =	sbr.rel @p0 .LBB2_5-.Ltmp1, $4  }
0x13b: {  	v39 =	vadd.f32 $-1.000000000e+00, v39;
	v14 =	vsel vm6, v35, v14;
	v16 =	vsel vm5, v43, v16  }
0x13c: {  	v38 =	vsel vm4, v21, v38;
	v43 =	vnsel vm4, s21, v30;
	v17 =	vsel vm5, v44, v17;
	s21 =	smov.u32 s3  }
0x13d: {  	v39 =	vand.u32 $0x7FFFFFFF, v39;
	v22 =	vsel vm3, v43, v22;
	v35 =	vmul.f32 $1.500000060e-01, v40;
	v40 =	vpop (erf)  }
0x13e: {  	s4 =	smov.u32 s6;
	v21 =	vsel vm4, v42, v21;
	v41 =	vmul.f32 $7.500000000e-01, v41;
	v40 =	vmul.f32 $1.250000000e+00, v40  }
0x13f: {  	v2 =	vmul.f32 $1.250000000e+00, v36;
	v3 =	vmul.f32 $7.500000000e-01, v32  }
0x140: {  	vm5 =	vlt.f32 v39, $5.000000000e-01;
	v4 =	vadd.f32 v41, v40  }
0x141: {  	v5 =	vsel vm5, $0x3DCCCCCD, v0;
	v2 =	vadd.f32 v3, v2  }
0x142: {  	v3 =	vadd.f32 v5, v24;
	v4 =	vadd.f32 v4, v28  }
0x143: {  	v2 =	vadd.f32 v2, v27  }
0x144: {  	v47 =	vsel vm2, v34, v31;
	vm2 =	vle.f32 v13, $1.200000000e+02;
	v3 =	vadd.f32 v3, v4  }
0x145: {  	vm10 =	vle.f32 v12, $1.200000000e+02;
	vm11 =	vgt.f32 v23, $5.000000000e-01;
	v2 =	vadd.f32 v33, v2  }
0x146: {  	vm6 =	vgt.f32 v25, $5.000000000e-01;
	vm2 =	vmor vm1, vm2;
	v3 =	vadd.f32 v3, v29  }
0x147: {  	vm1 =	vmor vm1, vm10;
	vm2 =	vmand vm11, vm2;
	v2 =	vadd.f32 v2, v35  }
0x148: {  	v48 =	vsel vm4, v37, v30;
	vm1 =	vmand vm6, vm1;
	v3 =	vnsel vm2, $0xFF800000, v3  }
0x149: {  	v6 =	vsel vm3, v38, v26;
	v2 =	vnsel vm1, $0xFF800000, v2;
	vm12 =	vgt.f32 v3, v19  }
0x14a: {  	s3 =	sadd.s32 $0xFFFFFFFF, s21;
	vm13 =	vgt.f32 v3, v15;
	vm14 =	vgt.f32 v3, v6;
	vm3 =	vgt.f32 v3, v20  }
0x14b: {  	vm2 =	vgt.f32 v3, v21;
	vm1 =	vgt.f32 v3, v16;
	v7 =	vnsel vm12, s3, v47  }
0x14c: {  	v8 =	vsel vm12, v19, v3;
	v9 =	vnsel vm14, s3, v22;
	v10 =	vsel vm3, v20, v3  }
0x14d: {  	v11 =	vsel vm14, v6, v3;
	v49 =	vsel vm13, v3, v15;
	v50 =	vnsel vm2, s3, v48  }
0x14e: {  	v51 =	vsel vm2, v21, v3;
	v52 =	vnsel vm3, s3, v14;
	v53 =	vsel vm13, s3, v18  }
0x14f: {  	v54 =	vnsel vm13, s3, v18;
	v3 =	vsel vm13, v15, v3;
	v8 =	vsel vm3, v8, v20  }
0x150: {  	v6 =	vsel vm14, v51, v6;
	vm15 =	vgt.f32 v2, v49;
	v5 =	vsel vm12, v54, v47  }
0x151: {  	v3 =	vsel vm12, v3, v19;
	v13 =	vsel vm14, v50, v22;
	v55 =	vsel vm15, v2, v49  }
0x152: {  	vm4 =	vgt.f32 v2, v3;
	v56 =	vsel vm15, s21, v53;
	v12 =	vsel vm15, v49, v2;
	[tilespmem:s1+$0x18200] =	vst v55  }
0x153: {  	v10 =	vsel vm2, v10, v21;
	v57 =	vnsel vm15, s21, v53;
	v12 =	vsel vm4, v12, v3;
	[tilespmem:s1+$0x18600] =	vst v56  }
0x154: {  	vm7 =	vgt.f32 v2, v8;
	v3 =	vsel vm4, v3, v2;
	v15 =	vsel vm4, v57, v5;
	[tilespmem:s18+$0x18200] =	vst v12  }
0x155: {  	v7 =	vsel vm3, v7, v14;
	v5 =	vnsel vm4, s21, v5;
	v3 =	vsel vm7, v3, v8;
	[tilespmem:s18+$0x18600] =	vst v15  }
0x156: {  	vm3 =	vgt.f32 v2, v10;
	v8 =	vsel vm7, v8, v2;
	v5 =	vsel vm7, v5, v7;
	[tilespmem:s17+$0x18200] =	vst v3  }
0x157: {  	s0 =	sadd.s32 $0x1, s0;
	v58 =	vnsel vm7, s21, v7;
	v3 =	vsel vm2, v52, v48;
	v59 =	vsel vm3, v8, v10;
	[tilespmem:s17+$0x18600] =	vst v5  }
0x158: {  	p0 =	sne.s32 s0, $0x8;
	v60 =	vsel vm3, v10, v2;
	vm2 =	vgt.f32 v2, v6;
	v4 =	vsel vm3, v58, v3;
	[tilespmem:s16+$0x18200] =	vst v59  }
.Ltmp2:
0x159: {  	v61 =	vsel vm1, v11, v16;
	v3 =	vnsel vm3, s21, v3;
	v5 =	vsel vm2, v60, v6;
	[tilespmem:s16+$0x18600] =	vst v4;
	(pc) =	sbr.rel @p0 .LBB2_2-.Ltmp2, $4  }
0x15a: {  	vm3 =	vgt.f32 v2, v61;
	v2 =	vsel vm2, v6, v2;
	v3 =	vsel vm2, v3, v13;
	[tilespmem:s19+$0x18200] =	vst v5  }
0x15b: {  	s24 =	sadd.s32 $0x10, s24;
	s23 =	sadd.s32 $0x10, s23;
	v62 =	vsel vm1, v9, v17;
	v63 =	vnsel vm2, s21, v13;
	v2 =	vsel vm3, v2, v61;
	[tilespmem:s19+$0x18600] =	vst v3  }
0x15c: {  	s25 =	sadd.s32 $0x10, s25;
	s26 =	sadd.s32 $0x10, s26;
	s28 =	sadd.s32 $0x10, s28;
	v3 =	vsel vm3, v63, v62;
	[tilespmem:s20+$0x18200] =	vst v2  }
0x15d: {  	s29 =	sadd.s32 $0x10, s29;
	s30 =	sadd.s32 $0x10, s30;
	s31 =	sadd.s32 $0x10, s31;
	[tilespmem:s20+$0x18600] =	vst v3  }
0x15e: {  	s0 =	simm.s32 $0x18200  }
0x15f: {  	[hbm4b:s10+s2] =	stream.linear.scatter [tilespmem:s0], [sflag:$0x1], $0x300, $0x38;
	[tilespmem:$0x18A00] =	vst v63  }
0x160: {  	s22 =	sadd.s32 $0x1, s22;
	_ =	swait.ge [sflag:s15], $0x300  }
0x161: {  	p0 =	sne.s32 s22, s12;
	[sflag:s15] =	ssyncset.done $0x0  }
.Ltmp3:
0x162: {  	s31 =	simm.s32 $0x18600;
	[sflag:s15] =	ssyncadd.s32 $0xFFFFFD00;
	(pc) =	sbr.rel @p0 .LBB2_1-.Ltmp3, $4  }
0x163: {  	[hbm4b:s11+s2] =	stream.linear.scatter [tilespmem:s31], [sflag:$0x1], $0x300, $0x38;
	[tilespmem:$0x18A00] =	vst v63  }
0x164: {  	_ =	swait.ge [sflag:s15], $0x300  }
0x165: {  	[sflag:s15] =	ssyncset.done $0x0  }
0x166: {  	[sflag:s15] =	ssyncadd.s32 $0xFFFFFD00  }
0x167: {  	_ =	sfence.sel $0x180000  }
0x168: {  	[bflag:$0x0] =	sbarrier.arrive $0xFFFF  }
0x169: {  	_ =	strace $0x90000047  }
0x16a: {  	s0 =	stileid.u32;
	[bflag:$0x2] =	sbarrier.arrive $0xFFFF  }
0x16b: {  	p0 =	sne.s32 s0, $0x0;
	s0 =	rddreg [dreg:$0x8]  }
0x16c: {  	s0 =	sadd.s32 @!p0 $0x100000, s0  }
0x16d: {  	[sflag:s0] =	ssyncadd.tile.s32 @!p0 $0x1;
	_ =	shalt  }
.Lfunc_end2:
_tile_overlayer_lowered:
.L_overlay_start_2:
0x16e: {  	(tag) =	ssettag $0x2  }
0x16f: {  	s0 =	rddreg [dreg:$0x0];
	s2 =	stileid.u32  }
0x170: {  	s1 =	rddreg [dreg:$0x1];
	p0 =	sne.s32 s2, $0x0  }
0x171: {  	s3 =	rddreg [dreg:$0x2];
	[bflag:$0x3] =	sbarrier.arrive $0xFFFF;
	s2 =	simm.s32 @!p0 $0x1C01  }
0x172: {  	[timem:s3], [sflag:s2] =	dma.local @!p0 [hbm:s0], s1  }
0x173: {  	s0 =	simm.s32 @!p0 $0x1  }
0x174: {  	_ =	swait.ge @!p0 [sflag:s0], s1  }
0x175: {  	s1 =	ssub.s32 @!p0 $0x0, s1;
	[sflag:s0] =	ssyncset.done @!p0 $0x0  }
0x176: {  	[sflag:s0] =	ssyncadd.s32 @!p0 s1  }
0x177: {  	[bflag:$0x3] =	sbarrier.arrive $0xFFFF  }
0x178: {  	_ =	shalt  }

</sc_bundles>
